<compile_context>
chip_gen: v7x
topology: tpu7x:2x2x1
jax: 0.10.2.dev20260603
libtpu: 0.0.44.dev20260713+nightly
codegen_flags: <defaults>
</compile_context>

<pallas_src>
import functools

import jax
import jax.numpy as jnp
from jax import lax
from jax.experimental import pallas as pl
from jax.experimental.pallas import tpu as pltpu
from jax.experimental.pallas import tpu_sc as plsc

N = 16384
K = 10
WIDTH = 64
VOCAB = 1001
B = N * K

NC = 2
NS = 16
NW = NC * NS
B_PER_W = B // NW
CH = 320
NCH = B_PER_W // CH
NBUF = 4


def _gather_kernel(table_hbm, idx_hbm, out_hbm, tab_v, idx_v, bufs, gsems,
                   wsems):
    sid = lax.axis_index("s")
    wid = sid * NC + lax.axis_index("c")
    base = wid * B_PER_W

    @pl.when(sid == 0)
    def _stage_table():
        pltpu.sync_copy(table_hbm, tab_v)

    pltpu.sync_copy(idx_hbm.at[pl.ds(base, B_PER_W)], idx_v)
    plsc.subcore_barrier()

    def start_gather(c):
        b = c % NBUF
        return pltpu.async_copy(
            tab_v.at[idx_v.at[pl.ds(c * CH, CH)]], bufs[b], gsems[b]
        )

    def start_write(c):
        b = c % NBUF
        return pltpu.async_copy(
            bufs[b], out_hbm.at[pl.ds(base + c * CH, CH)], wsems[b]
        )

    ghandles = [None] * NBUF
    whandles = [None] * NBUF
    for c in range(NCH + NBUF - 1):
        if c < NCH:
            b = c % NBUF
            if whandles[b] is not None:
                whandles[b].wait()
            ghandles[b] = start_gather(c)
        d = c - (NBUF - 1)
        if d >= 0:
            db = d % NBUF
            ghandles[db].wait()
            whandles[db] = start_write(d)
    for b in range(NBUF):
        if whandles[b] is not None:
            whandles[b].wait()


@jax.jit
def _lookup(uuid_values_flat, uuid_embedding):
    mesh = plsc.VectorSubcoreMesh(core_axis_name="c", subcore_axis_name="s")
    k = functools.partial(
        pl.kernel,
        mesh=mesh,
        out_type=jax.ShapeDtypeStruct((B, WIDTH), jnp.float32),
        scratch_types=[
            pltpu.VMEM_SHARED((VOCAB, WIDTH), jnp.float32),
            pltpu.VMEM((B_PER_W,), jnp.int32),
            [pltpu.VMEM((CH, WIDTH), jnp.float32) for _ in range(NBUF)],
            [pltpu.SemaphoreType.DMA for _ in range(NBUF)],
            [pltpu.SemaphoreType.DMA for _ in range(NBUF)],
        ],
        compiler_params=pltpu.CompilerParams(use_tc_tiling_on_sc=False),
    )(_gather_kernel)
    return k(uuid_embedding, uuid_values_flat)


def kernel(partname_indices, pos_values, uuid_values, uuid_embedding):
    flat = _lookup(uuid_values.reshape(-1), uuid_embedding)
    return flat.reshape(N, K * WIDTH)

# --- scband reference (transcript-rebuilt; emitter-appended) ---
"""Pipeline reference for scband-identity-model-33681133535468 (READ-ONLY COPY).

The authoritative reference and input builder live on the scoring server;
editing this copy changes nothing except your own understanding.
"""

import jax, jax.numpy as jnp
import numpy as np

N = 16384
K = 10
VOCAB = 1001
WIDTH = 64

def setup_inputs(seed: int = 0):
    key = jax.random.key(seed)
    k1, k2, k3, k4 = jax.random.split(key, 4)
    partname_indices = jax.random.randint(k1, (N,), 0, 3, dtype=jnp.int32)
    pos_values = jax.random.normal(k2, (N, K, 2), dtype=jnp.float32)
    uuid_values = jax.random.randint(k3, (N, K), 0, VOCAB, dtype=jnp.int32)
    uuid_embedding = jax.random.normal(k4, (VOCAB, WIDTH), dtype=jnp.float32) * 0.02
    return {"partname_indices": partname_indices, "pos_values": pos_values, "uuid_values": uuid_values, "uuid_embedding": uuid_embedding}

def reference(partname_indices, pos_values, uuid_values, uuid_embedding):
    # forward: identity_embedding = Embedding(uuid_values); flatten trailing dims
    emb = jnp.take(uuid_embedding, uuid_values, axis=0)  # [N, K, WIDTH]
    return emb.reshape(emb.shape[0], -1)  # [N, K*WIDTH]

if __name__ == "__main__":
    import jax
    _d = setup_inputs()
    print(jax.jit(kernel)(*tuple(_d.values())))

</pallas_src>

<mosaic_0001>
#map = affine_map<(d0, d1) -> (0, 0)>
#map1 = affine_map<(d0, d1) -> (0)>
module attributes {stable_mosaic.version = 14 : i64} {
  func.func @_gather_kernel(%arg0: i32, %arg1: i32, %arg2: memref<1001x64xf32, #tpu.memory_space<hbm>>, %arg3: memref<163840xi32, #tpu.memory_space<hbm>>, %arg4: memref<163840x64xf32, #tpu.memory_space<hbm>>, %arg5: memref<1001x64xf32, #tpu.memory_space<vmem_shared>>, %arg6: memref<5120xi32, #tpu.memory_space<vmem>>, %arg7: memref<320x64xf32, #tpu.memory_space<vmem>>, %arg8: memref<320x64xf32, #tpu.memory_space<vmem>>, %arg9: memref<320x64xf32, #tpu.memory_space<vmem>>, %arg10: memref<320x64xf32, #tpu.memory_space<vmem>>, %arg11: memref<!tpu.dma_semaphore, #tpu.memory_space<semaphore_mem>>, %arg12: memref<!tpu.dma_semaphore, #tpu.memory_space<semaphore_mem>>, %arg13: memref<!tpu.dma_semaphore, #tpu.memory_space<semaphore_mem>>, %arg14: memref<!tpu.dma_semaphore, #tpu.memory_space<semaphore_mem>>, %arg15: memref<!tpu.dma_semaphore, #tpu.memory_space<semaphore_mem>>, %arg16: memref<!tpu.dma_semaphore, #tpu.memory_space<semaphore_mem>>, %arg17: memref<!tpu.dma_semaphore, #tpu.memory_space<semaphore_mem>>, %arg18: memref<!tpu.dma_semaphore, #tpu.memory_space<semaphore_mem>>) attributes {dimension_semantics = [#tpu.dimension_semantics<core_parallel>, #tpu.dimension_semantics<subcore_parallel>], iteration_bounds = array<i64: 2, 16>, scalar_prefetch = 0 : i64, scratch_operands = 14 : i64, tpu.core_type = #tpu.core_type<sc_vector_subcore>, window_params = [{transform_indices = #map}, {transform_indices = #map1}, {transform_indices = #map}]} {
    %mul3A = arith.constant 2 : i32
    %mul3A_0 = arith.muli %arg1, %mul3A : i32
    %add3A = arith.addi %mul3A_0, %arg0 : i32
    %mul3A_1 = arith.constant 5120 : i32
    %mul3A_2 = arith.muli %add3A, %mul3A_1 : i32
    %eq3A = arith.constant 0 : i32
    %eq3A_3 = arith.cmpi eq, %arg1, %eq3A : i32
    %convert_element_type3A = arith.extui %eq3A_3 : i1 to i32
    %cond3A = arith.constant 0 : i32
    %cond3A_4 = arith.cmpi ne, %convert_element_type3A, %cond3A : i32
    scf.if %cond3A_4 {
      "tpu.region"() ({
        %run_scoped3A = tpu.sem_alloc : memref<!tpu.dma_semaphore, #tpu.memory_space<semaphore_mem>>
        tpu.enqueue_dma source(%arg2 : memref<1001x64xf32, #tpu.memory_space<hbm>>) target(%arg5 : memref<1001x64xf32, #tpu.memory_space<vmem_shared>>) target_semaphore(%run_scoped3A : memref<!tpu.dma_semaphore, #tpu.memory_space<semaphore_mem>>)
        tpu.wait_dma2 semaphore(%run_scoped3A : memref<!tpu.dma_semaphore, #tpu.memory_space<semaphore_mem>>) src(%arg2 : memref<1001x64xf32, #tpu.memory_space<hbm>>) dst(%arg5 : memref<1001x64xf32, #tpu.memory_space<vmem_shared>>)
        tpu.yield
      }) : () -> ()
    } else {
    }
    "tpu.region"() ({
      %run_scoped3A = tpu.sem_alloc : memref<!tpu.dma_semaphore, #tpu.memory_space<semaphore_mem>>
      %dma_start3A_323 = tpu.memref_slice %arg3[%mul3A_2] : memref<163840xi32, #tpu.memory_space<hbm>> -> memref<5120xi32, #tpu.memory_space<hbm>>
      %dma_start3A_324 = tpu.memref_slice %arg3[%mul3A_2] : memref<163840xi32, #tpu.memory_space<hbm>> -> memref<5120xi32, #tpu.memory_space<hbm>>
      tpu.enqueue_dma source(%dma_start3A_324 : memref<5120xi32, #tpu.memory_space<hbm>>) target(%arg6 : memref<5120xi32, #tpu.memory_space<vmem>>) target_semaphore(%run_scoped3A : memref<!tpu.dma_semaphore, #tpu.memory_space<semaphore_mem>>)
      %dma_wait3A_325 = tpu.memref_slice %arg3[%mul3A_2] : memref<163840xi32, #tpu.memory_space<hbm>> -> memref<5120xi32, #tpu.memory_space<hbm>>
      %dma_wait3A_326 = tpu.memref_slice %arg3[%mul3A_2] : memref<163840xi32, #tpu.memory_space<hbm>> -> memref<5120xi32, #tpu.memory_space<hbm>>
      tpu.wait_dma2 semaphore(%run_scoped3A : memref<!tpu.dma_semaphore, #tpu.memory_space<semaphore_mem>>) src(%dma_wait3A_326 : memref<5120xi32, #tpu.memory_space<hbm>>) dst(%arg6 : memref<5120xi32, #tpu.memory_space<vmem>>)
      tpu.yield
    }) : () -> ()
    %barrier3A = arith.constant 0 : index
    tpu.barrier barrier_id(%barrier3A)
    %dma_start3A = arith.constant 0 : i32
    %dma_start3A_5 = tpu.memref_slice %arg6[%dma_start3A] : memref<5120xi32, #tpu.memory_space<vmem>> -> memref<320xi32, #tpu.memory_space<vmem>>
    %dma_start3A_6 = arith.constant 0 : i32
    %dma_start3A_7 = arith.constant 0 : i32
    %dma_start3A_8 = tpu.memref_slice %arg5[%dma_start3A_6, %dma_start3A_7] : memref<1001x64xf32, #tpu.memory_space<vmem_shared>> -> memref<1001x64xf32, #tpu.memory_space<vmem_shared>>
    tpu.enqueue_indirect_dma source(%dma_start3A_8 : memref<1001x64xf32, #tpu.memory_space<vmem_shared>>) target(%arg7 : memref<320x64xf32, #tpu.memory_space<vmem>>) offsets(%dma_start3A_5 : memref<320xi32, #tpu.memory_space<vmem>>) semaphore(%arg11 : memref<!tpu.dma_semaphore, #tpu.memory_space<semaphore_mem>>)
    %dma_start3A_9 = arith.constant 320 : i32
    %dma_start3A_10 = tpu.memref_slice %arg6[%dma_start3A_9] : memref<5120xi32, #tpu.memory_space<vmem>> -> memref<320xi32, #tpu.memory_space<vmem>>
    %dma_start3A_11 = arith.constant 0 : i32
    %dma_start3A_12 = arith.constant 0 : i32
    %dma_start3A_13 = tpu.memref_slice %arg5[%dma_start3A_11, %dma_start3A_12] : memref<1001x64xf32, #tpu.memory_space<vmem_shared>> -> memref<1001x64xf32, #tpu.memory_space<vmem_shared>>
    tpu.enqueue_indirect_dma source(%dma_start3A_13 : memref<1001x64xf32, #tpu.memory_space<vmem_shared>>) target(%arg8 : memref<320x64xf32, #tpu.memory_space<vmem>>) offsets(%dma_start3A_10 : memref<320xi32, #tpu.memory_space<vmem>>) semaphore(%arg12 : memref<!tpu.dma_semaphore, #tpu.memory_space<semaphore_mem>>)
    %dma_start3A_14 = arith.constant 640 : i32
    %dma_start3A_15 = tpu.memref_slice %arg6[%dma_start3A_14] : memref<5120xi32, #tpu.memory_space<vmem>> -> memref<320xi32, #tpu.memory_space<vmem>>
    %dma_start3A_16 = arith.constant 0 : i32
    %dma_start3A_17 = arith.constant 0 : i32
    %dma_start3A_18 = tpu.memref_slice %arg5[%dma_start3A_16, %dma_start3A_17] : memref<1001x64xf32, #tpu.memory_space<vmem_shared>> -> memref<1001x64xf32, #tpu.memory_space<vmem_shared>>
    tpu.enqueue_indirect_dma source(%dma_start3A_18 : memref<1001x64xf32, #tpu.memory_space<vmem_shared>>) target(%arg9 : memref<320x64xf32, #tpu.memory_space<vmem>>) offsets(%dma_start3A_15 : memref<320xi32, #tpu.memory_space<vmem>>) semaphore(%arg13 : memref<!tpu.dma_semaphore, #tpu.memory_space<semaphore_mem>>)
    %dma_start3A_19 = arith.constant 960 : i32
    %dma_start3A_20 = tpu.memref_slice %arg6[%dma_start3A_19] : memref<5120xi32, #tpu.memory_space<vmem>> -> memref<320xi32, #tpu.memory_space<vmem>>
    %dma_start3A_21 = arith.constant 0 : i32
    %dma_start3A_22 = arith.constant 0 : i32
    %dma_start3A_23 = tpu.memref_slice %arg5[%dma_start3A_21, %dma_start3A_22] : memref<1001x64xf32, #tpu.memory_space<vmem_shared>> -> memref<1001x64xf32, #tpu.memory_space<vmem_shared>>
    tpu.enqueue_indirect_dma source(%dma_start3A_23 : memref<1001x64xf32, #tpu.memory_space<vmem_shared>>) target(%arg10 : memref<320x64xf32, #tpu.memory_space<vmem>>) offsets(%dma_start3A_20 : memref<320xi32, #tpu.memory_space<vmem>>) semaphore(%arg14 : memref<!tpu.dma_semaphore, #tpu.memory_space<semaphore_mem>>)
    %dma_wait3A = arith.constant 0 : i32
    %dma_wait3A_24 = tpu.memref_slice %arg6[%dma_wait3A] : memref<5120xi32, #tpu.memory_space<vmem>> -> memref<320xi32, #tpu.memory_space<vmem>>
    %dma_wait3A_25 = arith.constant 0 : i32
    %dma_wait3A_26 = arith.constant 0 : i32
    %dma_wait3A_27 = tpu.memref_slice %arg5[%dma_wait3A_25, %dma_wait3A_26] : memref<1001x64xf32, #tpu.memory_space<vmem_shared>> -> memref<1001x64xf32, #tpu.memory_space<vmem_shared>>
    tpu.wait_indirect_dma semaphore(%arg11 : memref<!tpu.dma_semaphore, #tpu.memory_space<semaphore_mem>>) src(%dma_wait3A_27 : memref<1001x64xf32, #tpu.memory_space<vmem_shared>>) dst(%arg7 : memref<320x64xf32, #tpu.memory_space<vmem>>)
    %add3A_28 = arith.constant 0 : i32
    %add3A_29 = arith.addi %mul3A_2, %add3A_28 : i32
    %dma_start3A_30 = arith.constant 0 : i32
    %dma_start3A_31 = tpu.memref_slice %arg4[%add3A_29, %dma_start3A_30] : memref<163840x64xf32, #tpu.memory_space<hbm>> -> memref<320x64xf32, #tpu.memory_space<hbm>>
    %dma_start3A_32 = arith.constant 0 : i32
    %dma_start3A_33 = tpu.memref_slice %arg4[%add3A_29, %dma_start3A_32] : memref<163840x64xf32, #tpu.memory_space<hbm>> -> memref<320x64xf32, #tpu.memory_space<hbm>>
    tpu.enqueue_dma source(%arg7 : memref<320x64xf32, #tpu.memory_space<vmem>>) target(%dma_start3A_33 : memref<320x64xf32, #tpu.memory_space<hbm>>) target_semaphore(%arg15 : memref<!tpu.dma_semaphore, #tpu.memory_space<semaphore_mem>>)
    %dma_wait3A_34 = arith.constant 0 : i32
    %dma_wait3A_35 = tpu.memref_slice %arg4[%add3A_29, %dma_wait3A_34] : memref<163840x64xf32, #tpu.memory_space<hbm>> -> memref<320x64xf32, #tpu.memory_space<hbm>>
    %dma_wait3A_36 = arith.constant 0 : i32
    %dma_wait3A_37 = tpu.memref_slice %arg4[%add3A_29, %dma_wait3A_36] : memref<163840x64xf32, #tpu.memory_space<hbm>> -> memref<320x64xf32, #tpu.memory_space<hbm>>
    tpu.wait_dma2 semaphore(%arg15 : memref<!tpu.dma_semaphore, #tpu.memory_space<semaphore_mem>>) src(%arg7 : memref<320x64xf32, #tpu.memory_space<vmem>>) dst(%dma_wait3A_37 : memref<320x64xf32, #tpu.memory_space<hbm>>)
    %dma_start3A_38 = arith.constant 1280 : i32
    %dma_start3A_39 = tpu.memref_slice %arg6[%dma_start3A_38] : memref<5120xi32, #tpu.memory_space<vmem>> -> memref<320xi32, #tpu.memory_space<vmem>>
    %dma_start3A_40 = arith.constant 0 : i32
    %dma_start3A_41 = arith.constant 0 : i32
    %dma_start3A_42 = tpu.memref_slice %arg5[%dma_start3A_40, %dma_start3A_41] : memref<1001x64xf32, #tpu.memory_space<vmem_shared>> -> memref<1001x64xf32, #tpu.memory_space<vmem_shared>>
    tpu.enqueue_indirect_dma source(%dma_start3A_42 : memref<1001x64xf32, #tpu.memory_space<vmem_shared>>) target(%arg7 : memref<320x64xf32, #tpu.memory_space<vmem>>) offsets(%dma_start3A_39 : memref<320xi32, #tpu.memory_space<vmem>>) semaphore(%arg11 : memref<!tpu.dma_semaphore, #tpu.memory_space<semaphore_mem>>)
    %dma_wait3A_43 = arith.constant 320 : i32
    %dma_wait3A_44 = tpu.memref_slice %arg6[%dma_wait3A_43] : memref<5120xi32, #tpu.memory_space<vmem>> -> memref<320xi32, #tpu.memory_space<vmem>>
    %dma_wait3A_45 = arith.constant 0 : i32
    %dma_wait3A_46 = arith.constant 0 : i32
    %dma_wait3A_47 = tpu.memref_slice %arg5[%dma_wait3A_45, %dma_wait3A_46] : memref<1001x64xf32, #tpu.memory_space<vmem_shared>> -> memref<1001x64xf32, #tpu.memory_space<vmem_shared>>
    tpu.wait_indirect_dma semaphore(%arg12 : memref<!tpu.dma_semaphore, #tpu.memory_space<semaphore_mem>>) src(%dma_wait3A_47 : memref<1001x64xf32, #tpu.memory_space<vmem_shared>>) dst(%arg8 : memref<320x64xf32, #tpu.memory_space<vmem>>)
    %add3A_48 = arith.constant 320 : i32
    %add3A_49 = arith.addi %mul3A_2, %add3A_48 : i32
    %dma_start3A_50 = arith.constant 0 : i32
    %dma_start3A_51 = tpu.memref_slice %arg4[%add3A_49, %dma_start3A_50] : memref<163840x64xf32, #tpu.memory_space<hbm>> -> memref<320x64xf32, #tpu.memory_space<hbm>>
    %dma_start3A_52 = arith.constant 0 : i32
    %dma_start3A_53 = tpu.memref_slice %arg4[%add3A_49, %dma_start3A_52] : memref<163840x64xf32, #tpu.memory_space<hbm>> -> memref<320x64xf32, #tpu.memory_space<hbm>>
    tpu.enqueue_dma source(%arg8 : memref<320x64xf32, #tpu.memory_space<vmem>>) target(%dma_start3A_53 : memref<320x64xf32, #tpu.memory_space<hbm>>) target_semaphore(%arg16 : memref<!tpu.dma_semaphore, #tpu.memory_space<semaphore_mem>>)
    %dma_wait3A_54 = arith.constant 0 : i32
    %dma_wait3A_55 = tpu.memref_slice %arg4[%add3A_49, %dma_wait3A_54] : memref<163840x64xf32, #tpu.memory_space<hbm>> -> memref<320x64xf32, #tpu.memory_space<hbm>>
    %dma_wait3A_56 = arith.constant 0 : i32
    %dma_wait3A_57 = tpu.memref_slice %arg4[%add3A_49, %dma_wait3A_56] : memref<163840x64xf32, #tpu.memory_space<hbm>> -> memref<320x64xf32, #tpu.memory_space<hbm>>
    tpu.wait_dma2 semaphore(%arg16 : memref<!tpu.dma_semaphore, #tpu.memory_space<semaphore_mem>>) src(%arg8 : memref<320x64xf32, #tpu.memory_space<vmem>>) dst(%dma_wait3A_57 : memref<320x64xf32, #tpu.memory_space<hbm>>)
    %dma_start3A_58 = arith.constant 1600 : i32
    %dma_start3A_59 = tpu.memref_slice %arg6[%dma_start3A_58] : memref<5120xi32, #tpu.memory_space<vmem>> -> memref<320xi32, #tpu.memory_space<vmem>>
    %dma_start3A_60 = arith.constant 0 : i32
    %dma_start3A_61 = arith.constant 0 : i32
    %dma_start3A_62 = tpu.memref_slice %arg5[%dma_start3A_60, %dma_start3A_61] : memref<1001x64xf32, #tpu.memory_space<vmem_shared>> -> memref<1001x64xf32, #tpu.memory_space<vmem_shared>>
    tpu.enqueue_indirect_dma source(%dma_start3A_62 : memref<1001x64xf32, #tpu.memory_space<vmem_shared>>) target(%arg8 : memref<320x64xf32, #tpu.memory_space<vmem>>) offsets(%dma_start3A_59 : memref<320xi32, #tpu.memory_space<vmem>>) semaphore(%arg12 : memref<!tpu.dma_semaphore, #tpu.memory_space<semaphore_mem>>)
    %dma_wait3A_63 = arith.constant 640 : i32
    %dma_wait3A_64 = tpu.memref_slice %arg6[%dma_wait3A_63] : memref<5120xi32, #tpu.memory_space<vmem>> -> memref<320xi32, #tpu.memory_space<vmem>>
    %dma_wait3A_65 = arith.constant 0 : i32
    %dma_wait3A_66 = arith.constant 0 : i32
    %dma_wait3A_67 = tpu.memref_slice %arg5[%dma_wait3A_65, %dma_wait3A_66] : memref<1001x64xf32, #tpu.memory_space<vmem_shared>> -> memref<1001x64xf32, #tpu.memory_space<vmem_shared>>
    tpu.wait_indirect_dma semaphore(%arg13 : memref<!tpu.dma_semaphore, #tpu.memory_space<semaphore_mem>>) src(%dma_wait3A_67 : memref<1001x64xf32, #tpu.memory_space<vmem_shared>>) dst(%arg9 : memref<320x64xf32, #tpu.memory_space<vmem>>)
    %add3A_68 = arith.constant 640 : i32
    %add3A_69 = arith.addi %mul3A_2, %add3A_68 : i32
    %dma_start3A_70 = arith.constant 0 : i32
    %dma_start3A_71 = tpu.memref_slice %arg4[%add3A_69, %dma_start3A_70] : memref<163840x64xf32, #tpu.memory_space<hbm>> -> memref<320x64xf32, #tpu.memory_space<hbm>>
    %dma_start3A_72 = arith.constant 0 : i32
    %dma_start3A_73 = tpu.memref_slice %arg4[%add3A_69, %dma_start3A_72] : memref<163840x64xf32, #tpu.memory_space<hbm>> -> memref<320x64xf32, #tpu.memory_space<hbm>>
    tpu.enqueue_dma source(%arg9 : memref<320x64xf32, #tpu.memory_space<vmem>>) target(%dma_start3A_73 : memref<320x64xf32, #tpu.memory_space<hbm>>) target_semaphore(%arg17 : memref<!tpu.dma_semaphore, #tpu.memory_space<semaphore_mem>>)
    %dma_wait3A_74 = arith.constant 0 : i32
    %dma_wait3A_75 = tpu.memref_slice %arg4[%add3A_69, %dma_wait3A_74] : memref<163840x64xf32, #tpu.memory_space<hbm>> -> memref<320x64xf32, #tpu.memory_space<hbm>>
    %dma_wait3A_76 = arith.constant 0 : i32
    %dma_wait3A_77 = tpu.memref_slice %arg4[%add3A_69, %dma_wait3A_76] : memref<163840x64xf32, #tpu.memory_space<hbm>> -> memref<320x64xf32, #tpu.memory_space<hbm>>
    tpu.wait_dma2 semaphore(%arg17 : memref<!tpu.dma_semaphore, #tpu.memory_space<semaphore_mem>>) src(%arg9 : memref<320x64xf32, #tpu.memory_space<vmem>>) dst(%dma_wait3A_77 : memref<320x64xf32, #tpu.memory_space<hbm>>)
    %dma_start3A_78 = arith.constant 1920 : i32
    %dma_start3A_79 = tpu.memref_slice %arg6[%dma_start3A_78] : memref<5120xi32, #tpu.memory_space<vmem>> -> memref<320xi32, #tpu.memory_space<vmem>>
    %dma_start3A_80 = arith.constant 0 : i32
    %dma_start3A_81 = arith.constant 0 : i32
    %dma_start3A_82 = tpu.memref_slice %arg5[%dma_start3A_80, %dma_start3A_81] : memref<1001x64xf32, #tpu.memory_space<vmem_shared>> -> memref<1001x64xf32, #tpu.memory_space<vmem_shared>>
    tpu.enqueue_indirect_dma source(%dma_start3A_82 : memref<1001x64xf32, #tpu.memory_space<vmem_shared>>) target(%arg9 : memref<320x64xf32, #tpu.memory_space<vmem>>) offsets(%dma_start3A_79 : memref<320xi32, #tpu.memory_space<vmem>>) semaphore(%arg13 : memref<!tpu.dma_semaphore, #tpu.memory_space<semaphore_mem>>)
    %dma_wait3A_83 = arith.constant 960 : i32
    %dma_wait3A_84 = tpu.memref_slice %arg6[%dma_wait3A_83] : memref<5120xi32, #tpu.memory_space<vmem>> -> memref<320xi32, #tpu.memory_space<vmem>>
    %dma_wait3A_85 = arith.constant 0 : i32
    %dma_wait3A_86 = arith.constant 0 : i32
    %dma_wait3A_87 = tpu.memref_slice %arg5[%dma_wait3A_85, %dma_wait3A_86] : memref<1001x64xf32, #tpu.memory_space<vmem_shared>> -> memref<1001x64xf32, #tpu.memory_space<vmem_shared>>
    tpu.wait_indirect_dma semaphore(%arg14 : memref<!tpu.dma_semaphore, #tpu.memory_space<semaphore_mem>>) src(%dma_wait3A_87 : memref<1001x64xf32, #tpu.memory_space<vmem_shared>>) dst(%arg10 : memref<320x64xf32, #tpu.memory_space<vmem>>)
    %add3A_88 = arith.constant 960 : i32
    %add3A_89 = arith.addi %mul3A_2, %add3A_88 : i32
    %dma_start3A_90 = arith.constant 0 : i32
    %dma_start3A_91 = tpu.memref_slice %arg4[%add3A_89, %dma_start3A_90] : memref<163840x64xf32, #tpu.memory_space<hbm>> -> memref<320x64xf32, #tpu.memory_space<hbm>>
    %dma_start3A_92 = arith.constant 0 : i32
    %dma_start3A_93 = tpu.memref_slice %arg4[%add3A_89, %dma_start3A_92] : memref<163840x64xf32, #tpu.memory_space<hbm>> -> memref<320x64xf32, #tpu.memory_space<hbm>>
    tpu.enqueue_dma source(%arg10 : memref<320x64xf32, #tpu.memory_space<vmem>>) target(%dma_start3A_93 : memref<320x64xf32, #tpu.memory_space<hbm>>) target_semaphore(%arg18 : memref<!tpu.dma_semaphore, #tpu.memory_space<semaphore_mem>>)
    %dma_wait3A_94 = arith.constant 0 : i32
    %dma_wait3A_95 = tpu.memref_slice %arg4[%add3A_89, %dma_wait3A_94] : memref<163840x64xf32, #tpu.memory_space<hbm>> -> memref<320x64xf32, #tpu.memory_space<hbm>>
    %dma_wait3A_96 = arith.constant 0 : i32
    %dma_wait3A_97 = tpu.memref_slice %arg4[%add3A_89, %dma_wait3A_96] : memref<163840x64xf32, #tpu.memory_space<hbm>> -> memref<320x64xf32, #tpu.memory_space<hbm>>
    tpu.wait_dma2 semaphore(%arg18 : memref<!tpu.dma_semaphore, #tpu.memory_space<semaphore_mem>>) src(%arg10 : memref<320x64xf32, #tpu.memory_space<vmem>>) dst(%dma_wait3A_97 : memref<320x64xf32, #tpu.memory_space<hbm>>)
    %dma_start3A_98 = arith.constant 2240 : i32
    %dma_start3A_99 = tpu.memref_slice %arg6[%dma_start3A_98] : memref<5120xi32, #tpu.memory_space<vmem>> -> memref<320xi32, #tpu.memory_space<vmem>>
    %dma_start3A_100 = arith.constant 0 : i32
    %dma_start3A_101 = arith.constant 0 : i32
    %dma_start3A_102 = tpu.memref_slice %arg5[%dma_start3A_100, %dma_start3A_101] : memref<1001x64xf32, #tpu.memory_space<vmem_shared>> -> memref<1001x64xf32, #tpu.memory_space<vmem_shared>>
    tpu.enqueue_indirect_dma source(%dma_start3A_102 : memref<1001x64xf32, #tpu.memory_space<vmem_shared>>) target(%arg10 : memref<320x64xf32, #tpu.memory_space<vmem>>) offsets(%dma_start3A_99 : memref<320xi32, #tpu.memory_space<vmem>>) semaphore(%arg14 : memref<!tpu.dma_semaphore, #tpu.memory_space<semaphore_mem>>)
    %dma_wait3A_103 = arith.constant 1280 : i32
    %dma_wait3A_104 = tpu.memref_slice %arg6[%dma_wait3A_103] : memref<5120xi32, #tpu.memory_space<vmem>> -> memref<320xi32, #tpu.memory_space<vmem>>
    %dma_wait3A_105 = arith.constant 0 : i32
    %dma_wait3A_106 = arith.constant 0 : i32
    %dma_wait3A_107 = tpu.memref_slice %arg5[%dma_wait3A_105, %dma_wait3A_106] : memref<1001x64xf32, #tpu.memory_space<vmem_shared>> -> memref<1001x64xf32, #tpu.memory_space<vmem_shared>>
    tpu.wait_indirect_dma semaphore(%arg11 : memref<!tpu.dma_semaphore, #tpu.memory_space<semaphore_mem>>) src(%dma_wait3A_107 : memref<1001x64xf32, #tpu.memory_space<vmem_shared>>) dst(%arg7 : memref<320x64xf32, #tpu.memory_space<vmem>>)
    %add3A_108 = arith.constant 1280 : i32
    %add3A_109 = arith.addi %mul3A_2, %add3A_108 : i32
    %dma_start3A_110 = arith.constant 0 : i32
    %dma_start3A_111 = tpu.memref_slice %arg4[%add3A_109, %dma_start3A_110] : memref<163840x64xf32, #tpu.memory_space<hbm>> -> memref<320x64xf32, #tpu.memory_space<hbm>>
    %dma_start3A_112 = arith.constant 0 : i32
    %dma_start3A_113 = tpu.memref_slice %arg4[%add3A_109, %dma_start3A_112] : memref<163840x64xf32, #tpu.memory_space<hbm>> -> memref<320x64xf32, #tpu.memory_space<hbm>>
    tpu.enqueue_dma source(%arg7 : memref<320x64xf32, #tpu.memory_space<vmem>>) target(%dma_start3A_113 : memref<320x64xf32, #tpu.memory_space<hbm>>) target_semaphore(%arg15 : memref<!tpu.dma_semaphore, #tpu.memory_space<semaphore_mem>>)
    %dma_wait3A_114 = arith.constant 0 : i32
    %dma_wait3A_115 = tpu.memref_slice %arg4[%add3A_109, %dma_wait3A_114] : memref<163840x64xf32, #tpu.memory_space<hbm>> -> memref<320x64xf32, #tpu.memory_space<hbm>>
    %dma_wait3A_116 = arith.constant 0 : i32
    %dma_wait3A_117 = tpu.memref_slice %arg4[%add3A_109, %dma_wait3A_116] : memref<163840x64xf32, #tpu.memory_space<hbm>> -> memref<320x64xf32, #tpu.memory_space<hbm>>
    tpu.wait_dma2 semaphore(%arg15 : memref<!tpu.dma_semaphore, #tpu.memory_space<semaphore_mem>>) src(%arg7 : memref<320x64xf32, #tpu.memory_space<vmem>>) dst(%dma_wait3A_117 : memref<320x64xf32, #tpu.memory_space<hbm>>)
    %dma_start3A_118 = arith.constant 2560 : i32
    %dma_start3A_119 = tpu.memref_slice %arg6[%dma_start3A_118] : memref<5120xi32, #tpu.memory_space<vmem>> -> memref<320xi32, #tpu.memory_space<vmem>>
    %dma_start3A_120 = arith.constant 0 : i32
    %dma_start3A_121 = arith.constant 0 : i32
    %dma_start3A_122 = tpu.memref_slice %arg5[%dma_start3A_120, %dma_start3A_121] : memref<1001x64xf32, #tpu.memory_space<vmem_shared>> -> memref<1001x64xf32, #tpu.memory_space<vmem_shared>>
    tpu.enqueue_indirect_dma source(%dma_start3A_122 : memref<1001x64xf32, #tpu.memory_space<vmem_shared>>) target(%arg7 : memref<320x64xf32, #tpu.memory_space<vmem>>) offsets(%dma_start3A_119 : memref<320xi32, #tpu.memory_space<vmem>>) semaphore(%arg11 : memref<!tpu.dma_semaphore, #tpu.memory_space<semaphore_mem>>)
    %dma_wait3A_123 = arith.constant 1600 : i32
    %dma_wait3A_124 = tpu.memref_slice %arg6[%dma_wait3A_123] : memref<5120xi32, #tpu.memory_space<vmem>> -> memref<320xi32, #tpu.memory_space<vmem>>
    %dma_wait3A_125 = arith.constant 0 : i32
    %dma_wait3A_126 = arith.constant 0 : i32
    %dma_wait3A_127 = tpu.memref_slice %arg5[%dma_wait3A_125, %dma_wait3A_126] : memref<1001x64xf32, #tpu.memory_space<vmem_shared>> -> memref<1001x64xf32, #tpu.memory_space<vmem_shared>>
    tpu.wait_indirect_dma semaphore(%arg12 : memref<!tpu.dma_semaphore, #tpu.memory_space<semaphore_mem>>) src(%dma_wait3A_127 : memref<1001x64xf32, #tpu.memory_space<vmem_shared>>) dst(%arg8 : memref<320x64xf32, #tpu.memory_space<vmem>>)
    %add3A_128 = arith.constant 1600 : i32
    %add3A_129 = arith.addi %mul3A_2, %add3A_128 : i32
    %dma_start3A_130 = arith.constant 0 : i32
    %dma_start3A_131 = tpu.memref_slice %arg4[%add3A_129, %dma_start3A_130] : memref<163840x64xf32, #tpu.memory_space<hbm>> -> memref<320x64xf32, #tpu.memory_space<hbm>>
    %dma_start3A_132 = arith.constant 0 : i32
    %dma_start3A_133 = tpu.memref_slice %arg4[%add3A_129, %dma_start3A_132] : memref<163840x64xf32, #tpu.memory_space<hbm>> -> memref<320x64xf32, #tpu.memory_space<hbm>>
    tpu.enqueue_dma source(%arg8 : memref<320x64xf32, #tpu.memory_space<vmem>>) target(%dma_start3A_133 : memref<320x64xf32, #tpu.memory_space<hbm>>) target_semaphore(%arg16 : memref<!tpu.dma_semaphore, #tpu.memory_space<semaphore_mem>>)
    %dma_wait3A_134 = arith.constant 0 : i32
    %dma_wait3A_135 = tpu.memref_slice %arg4[%add3A_129, %dma_wait3A_134] : memref<163840x64xf32, #tpu.memory_space<hbm>> -> memref<320x64xf32, #tpu.memory_space<hbm>>
    %dma_wait3A_136 = arith.constant 0 : i32
    %dma_wait3A_137 = tpu.memref_slice %arg4[%add3A_129, %dma_wait3A_136] : memref<163840x64xf32, #tpu.memory_space<hbm>> -> memref<320x64xf32, #tpu.memory_space<hbm>>
    tpu.wait_dma2 semaphore(%arg16 : memref<!tpu.dma_semaphore, #tpu.memory_space<semaphore_mem>>) src(%arg8 : memref<320x64xf32, #tpu.memory_space<vmem>>) dst(%dma_wait3A_137 : memref<320x64xf32, #tpu.memory_space<hbm>>)
    %dma_start3A_138 = arith.constant 2880 : i32
    %dma_start3A_139 = tpu.memref_slice %arg6[%dma_start3A_138] : memref<5120xi32, #tpu.memory_space<vmem>> -> memref<320xi32, #tpu.memory_space<vmem>>
    %dma_start3A_140 = arith.constant 0 : i32
    %dma_start3A_141 = arith.constant 0 : i32
    %dma_start3A_142 = tpu.memref_slice %arg5[%dma_start3A_140, %dma_start3A_141] : memref<1001x64xf32, #tpu.memory_space<vmem_shared>> -> memref<1001x64xf32, #tpu.memory_space<vmem_shared>>
    tpu.enqueue_indirect_dma source(%dma_start3A_142 : memref<1001x64xf32, #tpu.memory_space<vmem_shared>>) target(%arg8 : memref<320x64xf32, #tpu.memory_space<vmem>>) offsets(%dma_start3A_139 : memref<320xi32, #tpu.memory_space<vmem>>) semaphore(%arg12 : memref<!tpu.dma_semaphore, #tpu.memory_space<semaphore_mem>>)
    %dma_wait3A_143 = arith.constant 1920 : i32
    %dma_wait3A_144 = tpu.memref_slice %arg6[%dma_wait3A_143] : memref<5120xi32, #tpu.memory_space<vmem>> -> memref<320xi32, #tpu.memory_space<vmem>>
    %dma_wait3A_145 = arith.constant 0 : i32
    %dma_wait3A_146 = arith.constant 0 : i32
    %dma_wait3A_147 = tpu.memref_slice %arg5[%dma_wait3A_145, %dma_wait3A_146] : memref<1001x64xf32, #tpu.memory_space<vmem_shared>> -> memref<1001x64xf32, #tpu.memory_space<vmem_shared>>
    tpu.wait_indirect_dma semaphore(%arg13 : memref<!tpu.dma_semaphore, #tpu.memory_space<semaphore_mem>>) src(%dma_wait3A_147 : memref<1001x64xf32, #tpu.memory_space<vmem_shared>>) dst(%arg9 : memref<320x64xf32, #tpu.memory_space<vmem>>)
    %add3A_148 = arith.constant 1920 : i32
    %add3A_149 = arith.addi %mul3A_2, %add3A_148 : i32
    %dma_start3A_150 = arith.constant 0 : i32
    %dma_start3A_151 = tpu.memref_slice %arg4[%add3A_149, %dma_start3A_150] : memref<163840x64xf32, #tpu.memory_space<hbm>> -> memref<320x64xf32, #tpu.memory_space<hbm>>
    %dma_start3A_152 = arith.constant 0 : i32
    %dma_start3A_153 = tpu.memref_slice %arg4[%add3A_149, %dma_start3A_152] : memref<163840x64xf32, #tpu.memory_space<hbm>> -> memref<320x64xf32, #tpu.memory_space<hbm>>
    tpu.enqueue_dma source(%arg9 : memref<320x64xf32, #tpu.memory_space<vmem>>) target(%dma_start3A_153 : memref<320x64xf32, #tpu.memory_space<hbm>>) target_semaphore(%arg17 : memref<!tpu.dma_semaphore, #tpu.memory_space<semaphore_mem>>)
    %dma_wait3A_154 = arith.constant 0 : i32
    %dma_wait3A_155 = tpu.memref_slice %arg4[%add3A_149, %dma_wait3A_154] : memref<163840x64xf32, #tpu.memory_space<hbm>> -> memref<320x64xf32, #tpu.memory_space<hbm>>
    %dma_wait3A_156 = arith.constant 0 : i32
    %dma_wait3A_157 = tpu.memref_slice %arg4[%add3A_149, %dma_wait3A_156] : memref<163840x64xf32, #tpu.memory_space<hbm>> -> memref<320x64xf32, #tpu.memory_space<hbm>>
    tpu.wait_dma2 semaphore(%arg17 : memref<!tpu.dma_semaphore, #tpu.memory_space<semaphore_mem>>) src(%arg9 : memref<320x64xf32, #tpu.memory_space<vmem>>) dst(%dma_wait3A_157 : memref<320x64xf32, #tpu.memory_space<hbm>>)
    %dma_start3A_158 = arith.constant 3200 : i32
    %dma_start3A_159 = tpu.memref_slice %arg6[%dma_start3A_158] : memref<5120xi32, #tpu.memory_space<vmem>> -> memref<320xi32, #tpu.memory_space<vmem>>
    %dma_start3A_160 = arith.constant 0 : i32
    %dma_start3A_161 = arith.constant 0 : i32
    %dma_start3A_162 = tpu.memref_slice %arg5[%dma_start3A_160, %dma_start3A_161] : memref<1001x64xf32, #tpu.memory_space<vmem_shared>> -> memref<1001x64xf32, #tpu.memory_space<vmem_shared>>
    tpu.enqueue_indirect_dma source(%dma_start3A_162 : memref<1001x64xf32, #tpu.memory_space<vmem_shared>>) target(%arg9 : memref<320x64xf32, #tpu.memory_space<vmem>>) offsets(%dma_start3A_159 : memref<320xi32, #tpu.memory_space<vmem>>) semaphore(%arg13 : memref<!tpu.dma_semaphore, #tpu.memory_space<semaphore_mem>>)
    %dma_wait3A_163 = arith.constant 2240 : i32
    %dma_wait3A_164 = tpu.memref_slice %arg6[%dma_wait3A_163] : memref<5120xi32, #tpu.memory_space<vmem>> -> memref<320xi32, #tpu.memory_space<vmem>>
    %dma_wait3A_165 = arith.constant 0 : i32
    %dma_wait3A_166 = arith.constant 0 : i32
    %dma_wait3A_167 = tpu.memref_slice %arg5[%dma_wait3A_165, %dma_wait3A_166] : memref<1001x64xf32, #tpu.memory_space<vmem_shared>> -> memref<1001x64xf32, #tpu.memory_space<vmem_shared>>
    tpu.wait_indirect_dma semaphore(%arg14 : memref<!tpu.dma_semaphore, #tpu.memory_space<semaphore_mem>>) src(%dma_wait3A_167 : memref<1001x64xf32, #tpu.memory_space<vmem_shared>>) dst(%arg10 : memref<320x64xf32, #tpu.memory_space<vmem>>)
    %add3A_168 = arith.constant 2240 : i32
    %add3A_169 = arith.addi %mul3A_2, %add3A_168 : i32
    %dma_start3A_170 = arith.constant 0 : i32
    %dma_start3A_171 = tpu.memref_slice %arg4[%add3A_169, %dma_start3A_170] : memref<163840x64xf32, #tpu.memory_space<hbm>> -> memref<320x64xf32, #tpu.memory_space<hbm>>
    %dma_start3A_172 = arith.constant 0 : i32
    %dma_start3A_173 = tpu.memref_slice %arg4[%add3A_169, %dma_start3A_172] : memref<163840x64xf32, #tpu.memory_space<hbm>> -> memref<320x64xf32, #tpu.memory_space<hbm>>
    tpu.enqueue_dma source(%arg10 : memref<320x64xf32, #tpu.memory_space<vmem>>) target(%dma_start3A_173 : memref<320x64xf32, #tpu.memory_space<hbm>>) target_semaphore(%arg18 : memref<!tpu.dma_semaphore, #tpu.memory_space<semaphore_mem>>)
    %dma_wait3A_174 = arith.constant 0 : i32
    %dma_wait3A_175 = tpu.memref_slice %arg4[%add3A_169, %dma_wait3A_174] : memref<163840x64xf32, #tpu.memory_space<hbm>> -> memref<320x64xf32, #tpu.memory_space<hbm>>
    %dma_wait3A_176 = arith.constant 0 : i32
    %dma_wait3A_177 = tpu.memref_slice %arg4[%add3A_169, %dma_wait3A_176] : memref<163840x64xf32, #tpu.memory_space<hbm>> -> memref<320x64xf32, #tpu.memory_space<hbm>>
    tpu.wait_dma2 semaphore(%arg18 : memref<!tpu.dma_semaphore, #tpu.memory_space<semaphore_mem>>) src(%arg10 : memref<320x64xf32, #tpu.memory_space<vmem>>) dst(%dma_wait3A_177 : memref<320x64xf32, #tpu.memory_space<hbm>>)
    %dma_start3A_178 = arith.constant 3520 : i32
    %dma_start3A_179 = tpu.memref_slice %arg6[%dma_start3A_178] : memref<5120xi32, #tpu.memory_space<vmem>> -> memref<320xi32, #tpu.memory_space<vmem>>
    %dma_start3A_180 = arith.constant 0 : i32
    %dma_start3A_181 = arith.constant 0 : i32
    %dma_start3A_182 = tpu.memref_slice %arg5[%dma_start3A_180, %dma_start3A_181] : memref<1001x64xf32, #tpu.memory_space<vmem_shared>> -> memref<1001x64xf32, #tpu.memory_space<vmem_shared>>
    tpu.enqueue_indirect_dma source(%dma_start3A_182 : memref<1001x64xf32, #tpu.memory_space<vmem_shared>>) target(%arg10 : memref<320x64xf32, #tpu.memory_space<vmem>>) offsets(%dma_start3A_179 : memref<320xi32, #tpu.memory_space<vmem>>) semaphore(%arg14 : memref<!tpu.dma_semaphore, #tpu.memory_space<semaphore_mem>>)
    %dma_wait3A_183 = arith.constant 2560 : i32
    %dma_wait3A_184 = tpu.memref_slice %arg6[%dma_wait3A_183] : memref<5120xi32, #tpu.memory_space<vmem>> -> memref<320xi32, #tpu.memory_space<vmem>>
    %dma_wait3A_185 = arith.constant 0 : i32
    %dma_wait3A_186 = arith.constant 0 : i32
    %dma_wait3A_187 = tpu.memref_slice %arg5[%dma_wait3A_185, %dma_wait3A_186] : memref<1001x64xf32, #tpu.memory_space<vmem_shared>> -> memref<1001x64xf32, #tpu.memory_space<vmem_shared>>
    tpu.wait_indirect_dma semaphore(%arg11 : memref<!tpu.dma_semaphore, #tpu.memory_space<semaphore_mem>>) src(%dma_wait3A_187 : memref<1001x64xf32, #tpu.memory_space<vmem_shared>>) dst(%arg7 : memref<320x64xf32, #tpu.memory_space<vmem>>)
    %add3A_188 = arith.constant 2560 : i32
    %add3A_189 = arith.addi %mul3A_2, %add3A_188 : i32
    %dma_start3A_190 = arith.constant 0 : i32
    %dma_start3A_191 = tpu.memref_slice %arg4[%add3A_189, %dma_start3A_190] : memref<163840x64xf32, #tpu.memory_space<hbm>> -> memref<320x64xf32, #tpu.memory_space<hbm>>
    %dma_start3A_192 = arith.constant 0 : i32
    %dma_start3A_193 = tpu.memref_slice %arg4[%add3A_189, %dma_start3A_192] : memref<163840x64xf32, #tpu.memory_space<hbm>> -> memref<320x64xf32, #tpu.memory_space<hbm>>
    tpu.enqueue_dma source(%arg7 : memref<320x64xf32, #tpu.memory_space<vmem>>) target(%dma_start3A_193 : memref<320x64xf32, #tpu.memory_space<hbm>>) target_semaphore(%arg15 : memref<!tpu.dma_semaphore, #tpu.memory_space<semaphore_mem>>)
    %dma_wait3A_194 = arith.constant 0 : i32
    %dma_wait3A_195 = tpu.memref_slice %arg4[%add3A_189, %dma_wait3A_194] : memref<163840x64xf32, #tpu.memory_space<hbm>> -> memref<320x64xf32, #tpu.memory_space<hbm>>
    %dma_wait3A_196 = arith.constant 0 : i32
    %dma_wait3A_197 = tpu.memref_slice %arg4[%add3A_189, %dma_wait3A_196] : memref<163840x64xf32, #tpu.memory_space<hbm>> -> memref<320x64xf32, #tpu.memory_space<hbm>>
    tpu.wait_dma2 semaphore(%arg15 : memref<!tpu.dma_semaphore, #tpu.memory_space<semaphore_mem>>) src(%arg7 : memref<320x64xf32, #tpu.memory_space<vmem>>) dst(%dma_wait3A_197 : memref<320x64xf32, #tpu.memory_space<hbm>>)
    %dma_start3A_198 = arith.constant 3840 : i32
    %dma_start3A_199 = tpu.memref_slice %arg6[%dma_start3A_198] : memref<5120xi32, #tpu.memory_space<vmem>> -> memref<320xi32, #tpu.memory_space<vmem>>
    %dma_start3A_200 = arith.constant 0 : i32
    %dma_start3A_201 = arith.constant 0 : i32
    %dma_start3A_202 = tpu.memref_slice %arg5[%dma_start3A_200, %dma_start3A_201] : memref<1001x64xf32, #tpu.memory_space<vmem_shared>> -> memref<1001x64xf32, #tpu.memory_space<vmem_shared>>
    tpu.enqueue_indirect_dma source(%dma_start3A_202 : memref<1001x64xf32, #tpu.memory_space<vmem_shared>>) target(%arg7 : memref<320x64xf32, #tpu.memory_space<vmem>>) offsets(%dma_start3A_199 : memref<320xi32, #tpu.memory_space<vmem>>) semaphore(%arg11 : memref<!tpu.dma_semaphore, #tpu.memory_space<semaphore_mem>>)
    %dma_wait3A_203 = arith.constant 2880 : i32
    %dma_wait3A_204 = tpu.memref_slice %arg6[%dma_wait3A_203] : memref<5120xi32, #tpu.memory_space<vmem>> -> memref<320xi32, #tpu.memory_space<vmem>>
    %dma_wait3A_205 = arith.constant 0 : i32
    %dma_wait3A_206 = arith.constant 0 : i32
    %dma_wait3A_207 = tpu.memref_slice %arg5[%dma_wait3A_205, %dma_wait3A_206] : memref<1001x64xf32, #tpu.memory_space<vmem_shared>> -> memref<1001x64xf32, #tpu.memory_space<vmem_shared>>
    tpu.wait_indirect_dma semaphore(%arg12 : memref<!tpu.dma_semaphore, #tpu.memory_space<semaphore_mem>>) src(%dma_wait3A_207 : memref<1001x64xf32, #tpu.memory_space<vmem_shared>>) dst(%arg8 : memref<320x64xf32, #tpu.memory_space<vmem>>)
    %add3A_208 = arith.constant 2880 : i32
    %add3A_209 = arith.addi %mul3A_2, %add3A_208 : i32
    %dma_start3A_210 = arith.constant 0 : i32
    %dma_start3A_211 = tpu.memref_slice %arg4[%add3A_209, %dma_start3A_210] : memref<163840x64xf32, #tpu.memory_space<hbm>> -> memref<320x64xf32, #tpu.memory_space<hbm>>
    %dma_start3A_212 = arith.constant 0 : i32
    %dma_start3A_213 = tpu.memref_slice %arg4[%add3A_209, %dma_start3A_212] : memref<163840x64xf32, #tpu.memory_space<hbm>> -> memref<320x64xf32, #tpu.memory_space<hbm>>
    tpu.enqueue_dma source(%arg8 : memref<320x64xf32, #tpu.memory_space<vmem>>) target(%dma_start3A_213 : memref<320x64xf32, #tpu.memory_space<hbm>>) target_semaphore(%arg16 : memref<!tpu.dma_semaphore, #tpu.memory_space<semaphore_mem>>)
    %dma_wait3A_214 = arith.constant 0 : i32
    %dma_wait3A_215 = tpu.memref_slice %arg4[%add3A_209, %dma_wait3A_214] : memref<163840x64xf32, #tpu.memory_space<hbm>> -> memref<320x64xf32, #tpu.memory_space<hbm>>
    %dma_wait3A_216 = arith.constant 0 : i32
    %dma_wait3A_217 = tpu.memref_slice %arg4[%add3A_209, %dma_wait3A_216] : memref<163840x64xf32, #tpu.memory_space<hbm>> -> memref<320x64xf32, #tpu.memory_space<hbm>>
    tpu.wait_dma2 semaphore(%arg16 : memref<!tpu.dma_semaphore, #tpu.memory_space<semaphore_mem>>) src(%arg8 : memref<320x64xf32, #tpu.memory_space<vmem>>) dst(%dma_wait3A_217 : memref<320x64xf32, #tpu.memory_space<hbm>>)
    %dma_start3A_218 = arith.constant 4160 : i32
    %dma_start3A_219 = tpu.memref_slice %arg6[%dma_start3A_218] : memref<5120xi32, #tpu.memory_space<vmem>> -> memref<320xi32, #tpu.memory_space<vmem>>
    %dma_start3A_220 = arith.constant 0 : i32
    %dma_start3A_221 = arith.constant 0 : i32
    %dma_start3A_222 = tpu.memref_slice %arg5[%dma_start3A_220, %dma_start3A_221] : memref<1001x64xf32, #tpu.memory_space<vmem_shared>> -> memref<1001x64xf32, #tpu.memory_space<vmem_shared>>
    tpu.enqueue_indirect_dma source(%dma_start3A_222 : memref<1001x64xf32, #tpu.memory_space<vmem_shared>>) target(%arg8 : memref<320x64xf32, #tpu.memory_space<vmem>>) offsets(%dma_start3A_219 : memref<320xi32, #tpu.memory_space<vmem>>) semaphore(%arg12 : memref<!tpu.dma_semaphore, #tpu.memory_space<semaphore_mem>>)
    %dma_wait3A_223 = arith.constant 3200 : i32
    %dma_wait3A_224 = tpu.memref_slice %arg6[%dma_wait3A_223] : memref<5120xi32, #tpu.memory_space<vmem>> -> memref<320xi32, #tpu.memory_space<vmem>>
    %dma_wait3A_225 = arith.constant 0 : i32
    %dma_wait3A_226 = arith.constant 0 : i32
    %dma_wait3A_227 = tpu.memref_slice %arg5[%dma_wait3A_225, %dma_wait3A_226] : memref<1001x64xf32, #tpu.memory_space<vmem_shared>> -> memref<1001x64xf32, #tpu.memory_space<vmem_shared>>
    tpu.wait_indirect_dma semaphore(%arg13 : memref<!tpu.dma_semaphore, #tpu.memory_space<semaphore_mem>>) src(%dma_wait3A_227 : memref<1001x64xf32, #tpu.memory_space<vmem_shared>>) dst(%arg9 : memref<320x64xf32, #tpu.memory_space<vmem>>)
    %add3A_228 = arith.constant 3200 : i32
    %add3A_229 = arith.addi %mul3A_2, %add3A_228 : i32
    %dma_start3A_230 = arith.constant 0 : i32
    %dma_start3A_231 = tpu.memref_slice %arg4[%add3A_229, %dma_start3A_230] : memref<163840x64xf32, #tpu.memory_space<hbm>> -> memref<320x64xf32, #tpu.memory_space<hbm>>
    %dma_start3A_232 = arith.constant 0 : i32
    %dma_start3A_233 = tpu.memref_slice %arg4[%add3A_229, %dma_start3A_232] : memref<163840x64xf32, #tpu.memory_space<hbm>> -> memref<320x64xf32, #tpu.memory_space<hbm>>
    tpu.enqueue_dma source(%arg9 : memref<320x64xf32, #tpu.memory_space<vmem>>) target(%dma_start3A_233 : memref<320x64xf32, #tpu.memory_space<hbm>>) target_semaphore(%arg17 : memref<!tpu.dma_semaphore, #tpu.memory_space<semaphore_mem>>)
    %dma_wait3A_234 = arith.constant 0 : i32
    %dma_wait3A_235 = tpu.memref_slice %arg4[%add3A_229, %dma_wait3A_234] : memref<163840x64xf32, #tpu.memory_space<hbm>> -> memref<320x64xf32, #tpu.memory_space<hbm>>
    %dma_wait3A_236 = arith.constant 0 : i32
    %dma_wait3A_237 = tpu.memref_slice %arg4[%add3A_229, %dma_wait3A_236] : memref<163840x64xf32, #tpu.memory_space<hbm>> -> memref<320x64xf32, #tpu.memory_space<hbm>>
    tpu.wait_dma2 semaphore(%arg17 : memref<!tpu.dma_semaphore, #tpu.memory_space<semaphore_mem>>) src(%arg9 : memref<320x64xf32, #tpu.memory_space<vmem>>) dst(%dma_wait3A_237 : memref<320x64xf32, #tpu.memory_space<hbm>>)
    %dma_start3A_238 = arith.constant 4480 : i32
    %dma_start3A_239 = tpu.memref_slice %arg6[%dma_start3A_238] : memref<5120xi32, #tpu.memory_space<vmem>> -> memref<320xi32, #tpu.memory_space<vmem>>
    %dma_start3A_240 = arith.constant 0 : i32
    %dma_start3A_241 = arith.constant 0 : i32
    %dma_start3A_242 = tpu.memref_slice %arg5[%dma_start3A_240, %dma_start3A_241] : memref<1001x64xf32, #tpu.memory_space<vmem_shared>> -> memref<1001x64xf32, #tpu.memory_space<vmem_shared>>
    tpu.enqueue_indirect_dma source(%dma_start3A_242 : memref<1001x64xf32, #tpu.memory_space<vmem_shared>>) target(%arg9 : memref<320x64xf32, #tpu.memory_space<vmem>>) offsets(%dma_start3A_239 : memref<320xi32, #tpu.memory_space<vmem>>) semaphore(%arg13 : memref<!tpu.dma_semaphore, #tpu.memory_space<semaphore_mem>>)
    %dma_wait3A_243 = arith.constant 3520 : i32
    %dma_wait3A_244 = tpu.memref_slice %arg6[%dma_wait3A_243] : memref<5120xi32, #tpu.memory_space<vmem>> -> memref<320xi32, #tpu.memory_space<vmem>>
    %dma_wait3A_245 = arith.constant 0 : i32
    %dma_wait3A_246 = arith.constant 0 : i32
    %dma_wait3A_247 = tpu.memref_slice %arg5[%dma_wait3A_245, %dma_wait3A_246] : memref<1001x64xf32, #tpu.memory_space<vmem_shared>> -> memref<1001x64xf32, #tpu.memory_space<vmem_shared>>
    tpu.wait_indirect_dma semaphore(%arg14 : memref<!tpu.dma_semaphore, #tpu.memory_space<semaphore_mem>>) src(%dma_wait3A_247 : memref<1001x64xf32, #tpu.memory_space<vmem_shared>>) dst(%arg10 : memref<320x64xf32, #tpu.memory_space<vmem>>)
    %add3A_248 = arith.constant 3520 : i32
    %add3A_249 = arith.addi %mul3A_2, %add3A_248 : i32
    %dma_start3A_250 = arith.constant 0 : i32
    %dma_start3A_251 = tpu.memref_slice %arg4[%add3A_249, %dma_start3A_250] : memref<163840x64xf32, #tpu.memory_space<hbm>> -> memref<320x64xf32, #tpu.memory_space<hbm>>
    %dma_start3A_252 = arith.constant 0 : i32
    %dma_start3A_253 = tpu.memref_slice %arg4[%add3A_249, %dma_start3A_252] : memref<163840x64xf32, #tpu.memory_space<hbm>> -> memref<320x64xf32, #tpu.memory_space<hbm>>
    tpu.enqueue_dma source(%arg10 : memref<320x64xf32, #tpu.memory_space<vmem>>) target(%dma_start3A_253 : memref<320x64xf32, #tpu.memory_space<hbm>>) target_semaphore(%arg18 : memref<!tpu.dma_semaphore, #tpu.memory_space<semaphore_mem>>)
    %dma_wait3A_254 = arith.constant 0 : i32
    %dma_wait3A_255 = tpu.memref_slice %arg4[%add3A_249, %dma_wait3A_254] : memref<163840x64xf32, #tpu.memory_space<hbm>> -> memref<320x64xf32, #tpu.memory_space<hbm>>
    %dma_wait3A_256 = arith.constant 0 : i32
    %dma_wait3A_257 = tpu.memref_slice %arg4[%add3A_249, %dma_wait3A_256] : memref<163840x64xf32, #tpu.memory_space<hbm>> -> memref<320x64xf32, #tpu.memory_space<hbm>>
    tpu.wait_dma2 semaphore(%arg18 : memref<!tpu.dma_semaphore, #tpu.memory_space<semaphore_mem>>) src(%arg10 : memref<320x64xf32, #tpu.memory_space<vmem>>) dst(%dma_wait3A_257 : memref<320x64xf32, #tpu.memory_space<hbm>>)
    %dma_start3A_258 = arith.constant 4800 : i32
    %dma_start3A_259 = tpu.memref_slice %arg6[%dma_start3A_258] : memref<5120xi32, #tpu.memory_space<vmem>> -> memref<320xi32, #tpu.memory_space<vmem>>
    %dma_start3A_260 = arith.constant 0 : i32
    %dma_start3A_261 = arith.constant 0 : i32
    %dma_start3A_262 = tpu.memref_slice %arg5[%dma_start3A_260, %dma_start3A_261] : memref<1001x64xf32, #tpu.memory_space<vmem_shared>> -> memref<1001x64xf32, #tpu.memory_space<vmem_shared>>
    tpu.enqueue_indirect_dma source(%dma_start3A_262 : memref<1001x64xf32, #tpu.memory_space<vmem_shared>>) target(%arg10 : memref<320x64xf32, #tpu.memory_space<vmem>>) offsets(%dma_start3A_259 : memref<320xi32, #tpu.memory_space<vmem>>) semaphore(%arg14 : memref<!tpu.dma_semaphore, #tpu.memory_space<semaphore_mem>>)
    %dma_wait3A_263 = arith.constant 3840 : i32
    %dma_wait3A_264 = tpu.memref_slice %arg6[%dma_wait3A_263] : memref<5120xi32, #tpu.memory_space<vmem>> -> memref<320xi32, #tpu.memory_space<vmem>>
    %dma_wait3A_265 = arith.constant 0 : i32
    %dma_wait3A_266 = arith.constant 0 : i32
    %dma_wait3A_267 = tpu.memref_slice %arg5[%dma_wait3A_265, %dma_wait3A_266] : memref<1001x64xf32, #tpu.memory_space<vmem_shared>> -> memref<1001x64xf32, #tpu.memory_space<vmem_shared>>
    tpu.wait_indirect_dma semaphore(%arg11 : memref<!tpu.dma_semaphore, #tpu.memory_space<semaphore_mem>>) src(%dma_wait3A_267 : memref<1001x64xf32, #tpu.memory_space<vmem_shared>>) dst(%arg7 : memref<320x64xf32, #tpu.memory_space<vmem>>)
    %add3A_268 = arith.constant 3840 : i32
    %add3A_269 = arith.addi %mul3A_2, %add3A_268 : i32
    %dma_start3A_270 = arith.constant 0 : i32
    %dma_start3A_271 = tpu.memref_slice %arg4[%add3A_269, %dma_start3A_270] : memref<163840x64xf32, #tpu.memory_space<hbm>> -> memref<320x64xf32, #tpu.memory_space<hbm>>
    %dma_start3A_272 = arith.constant 0 : i32
    %dma_start3A_273 = tpu.memref_slice %arg4[%add3A_269, %dma_start3A_272] : memref<163840x64xf32, #tpu.memory_space<hbm>> -> memref<320x64xf32, #tpu.memory_space<hbm>>
    tpu.enqueue_dma source(%arg7 : memref<320x64xf32, #tpu.memory_space<vmem>>) target(%dma_start3A_273 : memref<320x64xf32, #tpu.memory_space<hbm>>) target_semaphore(%arg15 : memref<!tpu.dma_semaphore, #tpu.memory_space<semaphore_mem>>)
    %dma_wait3A_274 = arith.constant 4160 : i32
    %dma_wait3A_275 = tpu.memref_slice %arg6[%dma_wait3A_274] : memref<5120xi32, #tpu.memory_space<vmem>> -> memref<320xi32, #tpu.memory_space<vmem>>
    %dma_wait3A_276 = arith.constant 0 : i32
    %dma_wait3A_277 = arith.constant 0 : i32
    %dma_wait3A_278 = tpu.memref_slice %arg5[%dma_wait3A_276, %dma_wait3A_277] : memref<1001x64xf32, #tpu.memory_space<vmem_shared>> -> memref<1001x64xf32, #tpu.memory_space<vmem_shared>>
    tpu.wait_indirect_dma semaphore(%arg12 : memref<!tpu.dma_semaphore, #tpu.memory_space<semaphore_mem>>) src(%dma_wait3A_278 : memref<1001x64xf32, #tpu.memory_space<vmem_shared>>) dst(%arg8 : memref<320x64xf32, #tpu.memory_space<vmem>>)
    %add3A_279 = arith.constant 4160 : i32
    %add3A_280 = arith.addi %mul3A_2, %add3A_279 : i32
    %dma_start3A_281 = arith.constant 0 : i32
    %dma_start3A_282 = tpu.memref_slice %arg4[%add3A_280, %dma_start3A_281] : memref<163840x64xf32, #tpu.memory_space<hbm>> -> memref<320x64xf32, #tpu.memory_space<hbm>>
    %dma_start3A_283 = arith.constant 0 : i32
    %dma_start3A_284 = tpu.memref_slice %arg4[%add3A_280, %dma_start3A_283] : memref<163840x64xf32, #tpu.memory_space<hbm>> -> memref<320x64xf32, #tpu.memory_space<hbm>>
    tpu.enqueue_dma source(%arg8 : memref<320x64xf32, #tpu.memory_space<vmem>>) target(%dma_start3A_284 : memref<320x64xf32, #tpu.memory_space<hbm>>) target_semaphore(%arg16 : memref<!tpu.dma_semaphore, #tpu.memory_space<semaphore_mem>>)
    %dma_wait3A_285 = arith.constant 4480 : i32
    %dma_wait3A_286 = tpu.memref_slice %arg6[%dma_wait3A_285] : memref<5120xi32, #tpu.memory_space<vmem>> -> memref<320xi32, #tpu.memory_space<vmem>>
    %dma_wait3A_287 = arith.constant 0 : i32
    %dma_wait3A_288 = arith.constant 0 : i32
    %dma_wait3A_289 = tpu.memref_slice %arg5[%dma_wait3A_287, %dma_wait3A_288] : memref<1001x64xf32, #tpu.memory_space<vmem_shared>> -> memref<1001x64xf32, #tpu.memory_space<vmem_shared>>
    tpu.wait_indirect_dma semaphore(%arg13 : memref<!tpu.dma_semaphore, #tpu.memory_space<semaphore_mem>>) src(%dma_wait3A_289 : memref<1001x64xf32, #tpu.memory_space<vmem_shared>>) dst(%arg9 : memref<320x64xf32, #tpu.memory_space<vmem>>)
    %add3A_290 = arith.constant 4480 : i32
    %add3A_291 = arith.addi %mul3A_2, %add3A_290 : i32
    %dma_start3A_292 = arith.constant 0 : i32
    %dma_start3A_293 = tpu.memref_slice %arg4[%add3A_291, %dma_start3A_292] : memref<163840x64xf32, #tpu.memory_space<hbm>> -> memref<320x64xf32, #tpu.memory_space<hbm>>
    %dma_start3A_294 = arith.constant 0 : i32
    %dma_start3A_295 = tpu.memref_slice %arg4[%add3A_291, %dma_start3A_294] : memref<163840x64xf32, #tpu.memory_space<hbm>> -> memref<320x64xf32, #tpu.memory_space<hbm>>
    tpu.enqueue_dma source(%arg9 : memref<320x64xf32, #tpu.memory_space<vmem>>) target(%dma_start3A_295 : memref<320x64xf32, #tpu.memory_space<hbm>>) target_semaphore(%arg17 : memref<!tpu.dma_semaphore, #tpu.memory_space<semaphore_mem>>)
    %dma_wait3A_296 = arith.constant 4800 : i32
    %dma_wait3A_297 = tpu.memref_slice %arg6[%dma_wait3A_296] : memref<5120xi32, #tpu.memory_space<vmem>> -> memref<320xi32, #tpu.memory_space<vmem>>
    %dma_wait3A_298 = arith.constant 0 : i32
    %dma_wait3A_299 = arith.constant 0 : i32
    %dma_wait3A_300 = tpu.memref_slice %arg5[%dma_wait3A_298, %dma_wait3A_299] : memref<1001x64xf32, #tpu.memory_space<vmem_shared>> -> memref<1001x64xf32, #tpu.memory_space<vmem_shared>>
    tpu.wait_indirect_dma semaphore(%arg14 : memref<!tpu.dma_semaphore, #tpu.memory_space<semaphore_mem>>) src(%dma_wait3A_300 : memref<1001x64xf32, #tpu.memory_space<vmem_shared>>) dst(%arg10 : memref<320x64xf32, #tpu.memory_space<vmem>>)
    %add3A_301 = arith.constant 4800 : i32
    %add3A_302 = arith.addi %mul3A_2, %add3A_301 : i32
    %dma_start3A_303 = arith.constant 0 : i32
    %dma_start3A_304 = tpu.memref_slice %arg4[%add3A_302, %dma_start3A_303] : memref<163840x64xf32, #tpu.memory_space<hbm>> -> memref<320x64xf32, #tpu.memory_space<hbm>>
    %dma_start3A_305 = arith.constant 0 : i32
    %dma_start3A_306 = tpu.memref_slice %arg4[%add3A_302, %dma_start3A_305] : memref<163840x64xf32, #tpu.memory_space<hbm>> -> memref<320x64xf32, #tpu.memory_space<hbm>>
    tpu.enqueue_dma source(%arg10 : memref<320x64xf32, #tpu.memory_space<vmem>>) target(%dma_start3A_306 : memref<320x64xf32, #tpu.memory_space<hbm>>) target_semaphore(%arg18 : memref<!tpu.dma_semaphore, #tpu.memory_space<semaphore_mem>>)
    %dma_wait3A_307 = arith.constant 0 : i32
    %dma_wait3A_308 = tpu.memref_slice %arg4[%add3A_269, %dma_wait3A_307] : memref<163840x64xf32, #tpu.memory_space<hbm>> -> memref<320x64xf32, #tpu.memory_space<hbm>>
    %dma_wait3A_309 = arith.constant 0 : i32
    %dma_wait3A_310 = tpu.memref_slice %arg4[%add3A_269, %dma_wait3A_309] : memref<163840x64xf32, #tpu.memory_space<hbm>> -> memref<320x64xf32, #tpu.memory_space<hbm>>
    tpu.wait_dma2 semaphore(%arg15 : memref<!tpu.dma_semaphore, #tpu.memory_space<semaphore_mem>>) src(%arg7 : memref<320x64xf32, #tpu.memory_space<vmem>>) dst(%dma_wait3A_310 : memref<320x64xf32, #tpu.memory_space<hbm>>)
    %dma_wait3A_311 = arith.constant 0 : i32
    %dma_wait3A_312 = tpu.memref_slice %arg4[%add3A_280, %dma_wait3A_311] : memref<163840x64xf32, #tpu.memory_space<hbm>> -> memref<320x64xf32, #tpu.memory_space<hbm>>
    %dma_wait3A_313 = arith.constant 0 : i32
    %dma_wait3A_314 = tpu.memref_slice %arg4[%add3A_280, %dma_wait3A_313] : memref<163840x64xf32, #tpu.memory_space<hbm>> -> memref<320x64xf32, #tpu.memory_space<hbm>>
    tpu.wait_dma2 semaphore(%arg16 : memref<!tpu.dma_semaphore, #tpu.memory_space<semaphore_mem>>) src(%arg8 : memref<320x64xf32, #tpu.memory_space<vmem>>) dst(%dma_wait3A_314 : memref<320x64xf32, #tpu.memory_space<hbm>>)
    %dma_wait3A_315 = arith.constant 0 : i32
    %dma_wait3A_316 = tpu.memref_slice %arg4[%add3A_291, %dma_wait3A_315] : memref<163840x64xf32, #tpu.memory_space<hbm>> -> memref<320x64xf32, #tpu.memory_space<hbm>>
    %dma_wait3A_317 = arith.constant 0 : i32
    %dma_wait3A_318 = tpu.memref_slice %arg4[%add3A_291, %dma_wait3A_317] : memref<163840x64xf32, #tpu.memory_space<hbm>> -> memref<320x64xf32, #tpu.memory_space<hbm>>
    tpu.wait_dma2 semaphore(%arg17 : memref<!tpu.dma_semaphore, #tpu.memory_space<semaphore_mem>>) src(%arg9 : memref<320x64xf32, #tpu.memory_space<vmem>>) dst(%dma_wait3A_318 : memref<320x64xf32, #tpu.memory_space<hbm>>)
    %dma_wait3A_319 = arith.constant 0 : i32
    %dma_wait3A_320 = tpu.memref_slice %arg4[%add3A_302, %dma_wait3A_319] : memref<163840x64xf32, #tpu.memory_space<hbm>> -> memref<320x64xf32, #tpu.memory_space<hbm>>
    %dma_wait3A_321 = arith.constant 0 : i32
    %dma_wait3A_322 = tpu.memref_slice %arg4[%add3A_302, %dma_wait3A_321] : memref<163840x64xf32, #tpu.memory_space<hbm>> -> memref<320x64xf32, #tpu.memory_space<hbm>>
    tpu.wait_dma2 semaphore(%arg18 : memref<!tpu.dma_semaphore, #tpu.memory_space<semaphore_mem>>) src(%arg10 : memref<320x64xf32, #tpu.memory_space<vmem>>) dst(%dma_wait3A_322 : memref<320x64xf32, #tpu.memory_space<hbm>>)
    return
  }
}

</mosaic_0001>

<sc_bundles>
// kernel: _lookup.3.cloned.1.call-start
scs
__scs_entry_jumppad:
0x0: {  	(pc) =	sbr.rel $0x88, $3  }
0x1: {  	(tag) =	ssettag $0x0;
	lr =	simm.s32 $0x1  }
0x2: {  	[smem:$0x3F9F] =	sst lr;
	_ =	strace $0xD0000000  }
0x3: {  	_ = 	snop  }
0x4: {  	_ = 	snop  }
0x5: {  	_ = 	snop  }
0x6: {  	_ = 	snop  }
0x7: {  	_ = 	snop  }
__scs_overlays_trampoline_lowered:
0x8: {  	[smem:$0x3FAE] =	sst s0  }
0x9: {  	[smem:$0x3FAF] =	sst s1  }
0xa: {  	[smem:$0x3FB0] =	sst s2  }
0xb: {  	[smem:$0x3FB1] =	sst s3  }
0xc: {  	[smem:$0x3FB2] =	sst s4  }
0xd: {  	[smem:$0x3FB3] =	sst s5  }
0xe: {  	[smem:$0x3FB4] =	sst s6  }
0xf: {  	[smem:$0x3FB5] =	sst s7  }
0x10: {  	[smem:$0x3FB6] =	sst s8  }
0x11: {  	[smem:$0x3FB7] =	sst s9;
	s0 =	simm.s32 @!p0 $0x0  }
0x12: {  	s1 =	sld [smem:$0x3F9D];
	s0 =	simm.s32 @p0 $0x1  }
0x13: {  	[smem:$0x3FB8] =	sst s0;
	s0 =	simm.s32 @!p1 $0x0  }
0x14: {  	s2 =	sld [smem:$0x3F9C];
	s0 =	simm.s32 @p1 $0x1  }
0x15: {  	[smem:$0x3FB9] =	sst s0;
	s0 =	simm.s32 @!p2 $0x0  }
0x16: {  	s3 =	sld [smem:$0x3FDB];
	s0 =	simm.s32 @p2 $0x1  }
0x17: {  	s4 =	simm.s32 $0x1BF5;
	[smem:$0x3FBB] =	sst s0  }
0x18: {  	s0 =	sld [smem:$0x3F9E];
	_ =	swait.ge [sflag:s4], $0x0  }
0x19: {  	s7 =	sld [smem:$0x3F9F]  }
0x1a: {  	s8 =	sadd.s32 $0xFFFFE003, lr  }
0x1b: {  	s9 =	sadd.s32 $0xFFFFFEF7, lr;
	s5 =	simm.s32 $0xFFFFFFFF;
	p2 =	slt.u32 s8, $0xFFFFF086  }
0x1c: {  	p1 =	slt.u32 s9, $0xF7A;
	s5 =	simm.s32 @!p2 $0x0  }
0x1d: {  	s5 =	simm.s32 @p1 $0x1;
	p0 =	seq.s32 s7, s2  }
0x1e: {  	s7 =	smul.u32 @!p0 $0xF7A, s2;
	p2 =	seq.s32 @!p0 s5, $0x0  }
0x1f: {  	s9 =	smul.u32 $0xF7A, s1;
	s8 =	simm.s32 @!p0 $0x1BF5;
	p2 =	por !p2, p0  }
0x20: {  	[sflag:s8] =	ssyncset.s32 @!p0 $0xFFFFF086;
	s6 =	sadd.s32 @!p0 s3, s7;
	s7 =	simm.s32 @!p0 $0x108  }
0x21: {  	s3 =	sadd.s32 s3, s9;
	s6 =	sadd.s32 @!p0 $0x88, s6;
	s7 =	simm.s32 @p2 $0x1082  }
0x22: {  	[simem:s7], [sflag:s8] =	dma.local @!p0 [hbm:s6], $0xF7A  }
0x23: {  	s9 =	sor.u32 $0xD0000000, s2;
	s6 =	simm.s32 $0x108;
	_ =	swait.ge @!p0 [sflag:s8], $0x0  }
0x24: {  	s3 =	sadd.s32 $0x88, s3;
	s6 =	simm.s32 @!p1 $0x1082;
	[sflag:s4] =	ssyncset.s32 $0xFFFFF086  }
0x25: {  	[simem:s6], [sflag:s4] =	dma.local [hbm:s3], $0xF7A  }
0x26: {  	[smem:$0x3F9F] =	sst s1;
	(tag) =	ssettag s2;
	_ =	strace s9  }
0x27: {  	s1 =	sld [smem:$0x3FAF]  }
0x28: {  	s2 =	sld [smem:$0x3FB0]  }
0x29: {  	s4 =	sld [smem:$0x3FB2]  }
0x2a: {  	p0 =	seq.s32 s5, $0x0;
	s5 =	sld [smem:$0x3FB3]  }
0x2b: {  	s6 =	sld [smem:$0x3FB4]  }
0x2c: {  	s7 =	sld [smem:$0x3FB5]  }
0x2d: {  	s3 =	simm.s32 $0x108;
	s8 =	sld [smem:$0x3FB6]  }
0x2e: {  	s3 =	simm.s32 @!p0 $0x1082;
	s9 =	sld [smem:$0x3FB7]  }
0x2f: {  	lr =	sadd.s32 s0, s3;
	s0 =	sld [smem:$0x3FAE]  }
0x30: {  	s3 =	sld [smem:$0x3FB1]  }
0x31: {  	[smem:$0x3FBA] =	sst s10  }
0x32: {  	s10 =	sld [smem:$0x3FB8];
	_ =	sdelay $0x3  }
0x33: {  	p0 =	seq.s32 s10, $0x1;
	s10 =	sld [smem:$0x3FBA];
	_ =	sdelay $0x3  }
0x34: {  	[smem:$0x3FBA] =	sst s10  }
0x35: {  	s10 =	sld [smem:$0x3FB9];
	_ =	sdelay $0x3  }
0x36: {  	p1 =	seq.s32 s10, $0x1;
	s10 =	sld [smem:$0x3FBA];
	_ =	sdelay $0x3  }
0x37: {  	[smem:$0x3FBA] =	sst s10  }
0x38: {  	s10 =	sld [smem:$0x3FBB]  }
0x39: {  	_ = 	snop;
	(pc) =	sbr.ind lr, $3  }
0x3a: {  	_ = 	snop  }
0x3b: {  	_ = 	snop  }
0x3c: {  	p2 =	seq.s32 s10, $0x1;
	s10 =	sld [smem:$0x3FBA]  }
0x3d: {  	_ =	shalt  }
0x3e: {  	_ =	shalt  }
0x3f: {  	_ =	shalt  }
0x40: {  	_ =	shalt  }
0x41: {  	_ =	shalt  }
0x42: {  	_ =	shalt  }
0x43: {  	_ =	shalt  }
0x44: {  	_ =	shalt  }
0x45: {  	_ =	shalt  }
0x46: {  	_ =	shalt  }
0x47: {  	_ =	shalt  }
0x48: {  	_ =	shalt  }
0x49: {  	_ =	shalt  }
0x4a: {  	_ =	shalt  }
0x4b: {  	_ =	shalt  }
0x4c: {  	_ =	shalt  }
0x4d: {  	_ =	shalt  }
0x4e: {  	_ =	shalt  }
0x4f: {  	_ =	shalt  }
0x50: {  	_ =	shalt  }
0x51: {  	_ =	shalt  }
0x52: {  	_ =	shalt  }
0x53: {  	_ =	shalt  }
0x54: {  	_ =	shalt  }
0x55: {  	_ =	shalt  }
0x56: {  	_ =	shalt  }
0x57: {  	_ =	shalt  }
0x58: {  	_ =	shalt  }
0x59: {  	_ =	shalt  }
0x5a: {  	_ =	shalt  }
0x5b: {  	_ =	shalt  }
0x5c: {  	_ =	shalt  }
0x5d: {  	_ =	shalt  }
0x5e: {  	_ =	shalt  }
0x5f: {  	_ =	shalt  }
0x60: {  	_ =	shalt  }
0x61: {  	_ =	shalt  }
0x62: {  	_ =	shalt  }
0x63: {  	_ =	shalt  }
0x64: {  	_ =	shalt  }
0x65: {  	_ =	shalt  }
0x66: {  	_ =	shalt  }
0x67: {  	_ =	shalt  }
0x68: {  	_ =	shalt  }
0x69: {  	_ =	shalt  }
0x6a: {  	_ =	shalt  }
0x6b: {  	_ =	shalt  }
0x6c: {  	_ =	shalt  }
0x6d: {  	_ =	shalt  }
0x6e: {  	_ =	shalt  }
0x6f: {  	_ =	shalt  }
0x70: {  	_ =	shalt  }
0x71: {  	_ =	shalt  }
0x72: {  	_ =	shalt  }
0x73: {  	_ =	shalt  }
0x74: {  	_ =	shalt  }
0x75: {  	_ =	shalt  }
0x76: {  	_ =	shalt  }
0x77: {  	_ =	shalt  }
0x78: {  	_ =	shalt  }
0x79: {  	_ =	shalt  }
0x7a: {  	_ =	shalt  }
0x7b: {  	_ =	shalt  }
0x7c: {  	_ =	shalt  }
0x7d: {  	_ =	shalt  }
0x7e: {  	_ =	shalt  }
0x7f: {  	_ =	shalt  }
0x80: {  	_ =	shalt  }
0x81: {  	_ =	shalt  }
0x82: {  	_ =	shalt  }
0x83: {  	_ =	shalt  }
0x84: {  	_ =	shalt  }
0x85: {  	_ =	shalt  }
0x86: {  	_ =	shalt  }
0x87: {  	_ =	shalt  }
.Lfunc_end0:
.L_simem_size_0:
called_computation.1_lowered:
.L_overlay_start_0:
0x88: {  	s2 =	sld [smem:$0x3FD9]  }
0x89: {  	s3 =	sld [smem:$0x3FFE];
	_ =	sdelay $0x1  }
0x8a: {  	s1 =	srdreg.scid  }
0x8b: {  	s0 =	sand.u32 $0x1, s1  }
0x8c: {  	s17 =	sshll.u32 s0, $0xA;
	s2 =	sadd.s32 s3, s2  }
0x8d: {  	s2 =	sadd.s32 s2, s17  }
0x8e: {  	[smem:$0x3FC6] =	sst s2  }
0x8f: {  	_ = 	snop  }
0x90: {  	s2 =	sld [smem:$0x3FC9]  }
0x91: {  	s18 =	sld [smem:$0x3FD0];
	(tm) =	ssettm $0x1  }
0x92: {  	s4 =	sld [smem:$0x3FFB];
	_ =	sdelay $0x3  }
0x93: {  	_ =	strace s4  }
0x94: {  	s4 =	sld [smem:$0x3FFC];
	_ =	sdelay $0x3  }
0x95: {  	_ =	strace s4  }
0x96: {  	s4 =	sld [smem:$0x3FFD];
	_ =	sdelay $0x3  }
0x97: {  	_ =	strace s4  }
0x98: {  	_ =	strace $0x8FFFFFFF  }
0x99: {  	s19 =	sld [smem:$0x3FDB];
	_ =	sdelay $0x1  }
0x9a: {  	s5 =	simm.s32 $_scs_section_size  }
0x9b: {  	s6 =	simm.s32 $_size__tile_overlayer_lowered;
	s7 =	simm.s32 $_tile_overlayer_lowered  }
0x9c: {  	s22 =	simm.s32 $0x1BFF;
	s21 =	sshll.u32 s7, $0x1;
	s4 =	sadd.s32 s5, s19  }
0x9d: {  	s8 =	simm.s32 $0x0;
	s20 =	sshll.u32 s6, $0x1;
	s6 =	sadd.s32 s21, s4  }
0x9e: {  	[timem:s8], [sflag:s22] =	dma.local [hbm:s6], s20  }
0x9f: {  	_ =	swait.ge [sflag:s22], s20  }
0xa0: {  	s5 =	ssub.s32 $0x0, s20;
	[sflag:s22] =	ssyncset.done $0x0  }
0xa1: {  	[sflag:s22] =	ssyncadd.s32 s5;
	_ =	sdelay $0x1  }
0xa2: {  	s23 =	simm.s32 $0x1B8B  }
0xa3: {  	_ =	swait.ge [sflag:s23], $0x1  }
0xa4: {  	[sflag:s23] =	ssyncset.done $0x0  }
0xa5: {  	s25 =	simm.s32 $0x1B8E;
	s24 =	sld [smem:$0x3FFE];
	[sflag:s23] =	ssyncadd.s32 $0xFFFFFFFF  }
0xa6: {  	s26 =	simm.s32 $execute0_lowered;
	[smem:$0x3FD2] =	sst s25  }
0xa7: {  	s6 =	sshll.u32 s26, $0x1;
	_ =	strace $0x80000046;
	[dreg:$0x1] =	wrdreg $0xFFFFFFFF  }
0xa8: {  	s28 =	simm.s32 $_size_execute0_lowered;
	s4 =	sadd.s32 s4, s6;
	[dreg:$0x0] =	wrdreg $0x0  }
0xa9: {  	s6 =	sshll.u32 s28, $0x1;
	[dreg:$0x2] =	wrdreg s4  }
0xaa: {  	[dreg:$0x3] =	wrdreg s6  }
0xab: {  	[dreg:$0x4] =	wrdreg $0xC0  }
0xac: {  	_ =	task [dreg:s8], $0x5FFFF  }
0xad: {  	[dreg:$0x1] =	wrdreg $0xFFFFFFFF  }
0xae: {  	[dreg:$0x0] =	wrdreg $0x60  }
0xaf: {  	[dreg:$0x2] =	wrdreg s24  }
0xb0: {  	[dreg:$0x3] =	wrdreg s2  }
0xb1: {  	[dreg:$0x4] =	wrdreg s18  }
0xb2: {  	[dreg:$0x5] =	wrdreg $0x0  }
0xb3: {  	[dreg:$0x6] =	wrdreg $0x9  }
0xb4: {  	_ =	task.clear_ibuf [dreg:s8], $0x7FFFF;
	_ =	strace $0x90000046  }
0xb5: {  	s29 =	simm.s32 $0x9;
	_ =	strace $0x80000048  }
0xb6: {  	_ =	swait.ge [sflag:s29], $0x1  }
0xb7: {  	[sflag:s29] =	ssyncadd.s32 $0xFFFFFFFF  }
0xb8: {  	_ =	strace $0x90000048  }
0xb9: {  	_ =	sfence  }
0xba: {  	s30 =	sld [smem:$0x0];
	_ =	sdelay $0x2  }
0xbb: {  	s31 =	sshll.u32 s1, $0xD;
	s1 =	sshrl.u32 s1, $0x2  }
0xbc: {  	s3 =	sand.u32 $0x4000, s31;
	s1 =	sadd.s32 s1, s30  }
0xbd: {  	s0 =	sor.u32 s3, s0;
	s1 =	sshll.u32 s1, $0x11  }
0xbe: {  	s0 =	sor.u32 s1, s0  }
0xbf: {  	s0 =	sadd.s32 $0x8F2B, s0  }
0xc0: {  	[sflag:s0] =	ssyncadd.remote.s32 $0x1  }
0xc1: {  	_ =	sfence.sel $0xFFFF  }
0xc2: {  	[dreg:$0x0] =	wrdreg $0xFFFFFFFF;
	(pc) =	sbr.abs _section_cstart, $3  }
0xc3: {  	[dreg:$0x1] =	wrdreg $0xFFFFFFFF  }
0xc4: {  	_ =	task.clear_ibuf [dreg:s8], $0x2FFFF;
	_ =	strace $0x9FFFFFFF  }
0xc5: {  	(tm) =	ssettm $0x7FFFFFFF  }
tec
execute0_lowered:
.L_overlay_start_1:
0x0: {  	(tag) =	ssettag $0x1  }
0x1: {  	s0 =	rddreg [dreg:$0x0]  }
0x2: {  	s3 =	rddreg [dreg:$0x1]  }
0x3: {  	s4 =	rddreg [dreg:$0x2]  }
0x4: {  	s1 =	srdreg.scid;
	s2 =	rddreg [dreg:$0x3]  }
0x5: {  	s5 =	stileid.u32;
	s30 =	rddreg [dreg:$0x4]  }
0x6: {  	s28 =	simm.s32 $0x9;
	s22 =	simm.s32 $0x10E8;
	s23 =	simm.s32 $0x1228  }
0x7: {  	p1 =	por $0x0, $0x0;
	s6 =	sand.u32 $0x1, s1;
	s1 =	simm.s32 $0x0  }
0x8: {  	s7 =	sshll.u32 s5, $0x1;
	s0 =	sadd.s32 $0x800, s0;
	[smem:$0x7FF] =	sst s1  }
0x9: {  	s7 =	sor.u32 s6, s7;
	_ =	strace $0x80000047;
	[dreg:$0x5] =	wrdreg s0  }
0xa: {  	p0 =	sne.s32 s5, $0x0;
	s8 =	smul.u32 $0x280, s7;
	[dreg:$0x17] =	wrdreg s22  }
0xb: {  	s9 =	smul.u32 $0xA000, s7;
	s0 =	sshrl.u32 @!p0 s2, $0x3;
	[dreg:$0x18] =	wrdreg s23  }
0xc: {  	s5 =	simm.s32 $0x6;
	s25 =	smul.u32 $0x50000, s7;
	[dreg:$0x16] =	wrdreg s0  }
0xd: {  	s24 =	sadd.s32 s3, s8;
	s20 =	sadd.s32 s4, s9;
	s0 =	rddreg [dreg:$0x16]  }
0xe: {  	s3 =	sshrl.u32 s25, $0x3;
	s25 =	simm.s32 $0x14A8;
	[dreg:$0x6] =	wrdreg s24  }
0xf: {  	s16 =	ssub.s32 $0x2, s6;
	s26 =	sadd.s32 $0xA00, s20;
	[dreg:$0x1a] =	wrdreg s25  }
0x10: {  	s6 =	sshrl.u32 s16, $0x1;
	s29 =	sadd.s32 $0x1400, s20;
	[dreg:$0x7] =	wrdreg s26  }
0x11: {  	s23 =	simm.s32 $0x1AE8;
	s31 =	sadd.s32 $0x1E00, s20;
	[dreg:$0x8] =	wrdreg s29  }
0x12: {  	s3 =	sadd.s32 s4, s3;
	s24 =	simm.s32 $0x1368;
	[dreg:$0x9] =	wrdreg s31  }
0x13: {  	s22 =	simm.s32 $0x1C28;
	s7 =	sadd.s32 $0x2800, s3;
	[dreg:$0x19] =	wrdreg s24  }
0x14: {  	s21 =	ssub.s32 s16, s6;
	s8 =	sadd.s32 $0x3200, s3;
	[dreg:$0xa] =	wrdreg s7  }
0x15: {  	s6 =	simm.s32 $0x7;
	s9 =	sadd.s32 $0x3C00, s3;
	[dreg:$0xb] =	wrdreg s8  }
0x16: {  	s16 =	smax.u32 s21, $0x1;
	s10 =	sadd.s32 $0x4600, s3;
	[dreg:$0xc] =	wrdreg s9  }
0x17: {  	s21 =	simm.s32 $0x1D68;
	s11 =	sadd.s32 $0x5000, s3;
	[dreg:$0xd] =	wrdreg s10  }
0x18: {  	s4 =	simm.s32 $0x113A8;
	s12 =	sadd.s32 $0x5A00, s3;
	[dreg:$0xe] =	wrdreg s11  }
0x19: {  	s25 =	simm.s32 $0x1868;
	s13 =	sadd.s32 $0x6400, s3;
	[dreg:$0xf] =	wrdreg s12  }
0x1a: {  	s16 =	sadd.s32 $0xFFFFFFFF, s16;
	s14 =	sadd.s32 $0x6E00, s3;
	[dreg:$0x10] =	wrdreg s13  }
0x1b: {  	s15 =	sadd.s32 $0x7800, s3;
	s17 =	sadd.s32 $0x8200, s3;
	[dreg:$0x11] =	wrdreg s14  }
0x1c: {  	s18 =	sadd.s32 $0x8C00, s3;
	s19 =	sadd.s32 $0x9600, s3;
	[dreg:$0x12] =	wrdreg s15  }
0x1d: {  	s26 =	simm.s32 $0xFA8;
	s3 =	simm.s32 $0x5;
	[dreg:$0x13] =	wrdreg s17  }
0x1e: {  	s29 =	simm.s32 $0x15E8;
	s31 =	simm.s32 $0x1728;
	[dreg:$0x14] =	wrdreg s18  }
0x1f: {  	s24 =	simm.s32 $0x19A8;
	p2 =	sne.s32 s16, $0x0;
	[dreg:$0x15] =	wrdreg s19  }
.Ltmp0:
0x20: {  	s11 =	simm.s32 $0x140;
	s10 =	simm.s32 $0x23A8;
	(pc) =	sbr.rel @!p2 .LBB2_1-.Ltmp0, $4  }
0x21: {  	s9 =	simm.s32 $0x73A8;
	s8 =	simm.s32 $0xC3A8;
	s15 =	simm.s32 $0x1  }
0x22: {  	s13 =	simm.s32 $0x2;
	[dreg:$0x1b] =	wrdreg s29;
	s14 =	simm.s32 $0x3  }
0x23: {  	[dreg:$0x1c] =	wrdreg s31;
	s12 =	simm.s32 $0x4;
	s7 =	simm.s32 $0x8  }
0x24: {  	s19 =	simm.s32 $0x1EA8;
	s18 =	simm.s32 $0x1FE8;
	s17 =	simm.s32 $0x2128  }
0x25: {  	s31 =	rddreg [dreg:$0x5];
	s29 =	simm.s32 @!p0 $0x1C09;
	s30 =	simm.s32 @!p0 $0x9  }
0x26: {  	[spmem:s0], [sflag:s29] =	dma.local @!p0 [hbm:s31], $0x1F48  }
0x27: {  	_ =	swait.ge @!p0 [sflag:s30], $0x1F48  }
0x28: {  	[sflag:s30] =	ssyncset.done @!p0 $0x0  }
0x29: {  	s0 =	rddreg [dreg:$0x6];
	[sflag:s30] =	ssyncadd.s32 @!p0 $0xFFFFE0B8  }
0x2a: {  	[tilespmem:s26], [sflag:$0x9] =	stream.linear.gather [hbm4b:s0+s1], $0x1400, $0x38;
	[tilespmem:$0x163A8] =	vst v63  }
0x2b: {  	_ =	swait.ge [sflag:s28], $0x1400  }
0x2c: {  	[sflag:s28] =	ssyncset.done $0x0  }
0x2d: {  	[sflag:s28] =	ssyncadd.s32 $0xFFFFEC00  }
0x2e: {  	[bflag:$0x0] =	sbarrier.arrive $0xFFFF  }
0x2f: {  	[tilespmem:s10], [sflag:$0x1] =	stream.indirect.gather [spmem:s2], $0x40, s26, s11, $0xb8;
	[tilespmem:$0x163A8] =	vst v63  }
0x30: {  	s0 =	rddreg [dreg:$0x17]  }
0x31: {  	[tilespmem:s9], [sflag:$0x2] =	stream.indirect.gather [spmem:s2], $0x40, s0, s11, $0xb8;
	[tilespmem:$0x163A8] =	vst v63  }
0x32: {  	s31 =	rddreg [dreg:$0x18]  }
0x33: {  	[tilespmem:s8], [sflag:$0x3] =	stream.indirect.gather [spmem:s2], $0x40, s31, s11, $0xb8;
	[tilespmem:$0x163A8] =	vst v63  }
0x34: {  	s0 =	rddreg [dreg:$0x19]  }
0x35: {  	[tilespmem:s4], [sflag:$0x4] =	stream.indirect.gather [spmem:s2], $0x40, s0, s11, $0xb8;
	[tilespmem:$0x163A8] =	vst v63  }
0x36: {  	_ =	swait.ge [sflag:s15], $0x5000  }
0x37: {  	[sflag:s15] =	ssyncset.done $0x0  }
0x38: {  	[sflag:s15] =	ssyncadd.s32 $0xFFFFB000  }
0x39: {  	[hbm4b:s20+s1] =	stream.linear.scatter [tilespmem:s10], [sflag:$0x5], $0x5000, $0x38;
	[tilespmem:$0x163A8] =	vst v63  }
0x3a: {  	_ =	swait.ge [sflag:s3], $0x5000  }
0x3b: {  	[sflag:s3] =	ssyncset.done $0x0  }
0x3c: {  	s0 =	rddreg [dreg:$0x1a];
	[sflag:s3] =	ssyncadd.s32 $0xFFFFB000  }
0x3d: {  	[tilespmem:s10], [sflag:$0x1] =	stream.indirect.gather [spmem:s2], $0x40, s0, s11, $0xb8;
	[tilespmem:$0x163A8] =	vst v63  }
0x3e: {  	_ =	swait.ge [sflag:s13], $0x5000  }
0x3f: {  	[sflag:s13] =	ssyncset.done $0x0  }
0x40: {  	s0 =	rddreg [dreg:$0x7];
	[sflag:s13] =	ssyncadd.s32 $0xFFFFB000  }
0x41: {  	[hbm4b:s0+s1] =	stream.linear.scatter [tilespmem:s9], [sflag:$0x6], $0x5000, $0x38;
	[tilespmem:$0x163A8] =	vst v63  }
0x42: {  	_ =	swait.ge [sflag:s5], $0x5000  }
0x43: {  	[sflag:s5] =	ssyncset.done $0x0  }
0x44: {  	s0 =	rddreg [dreg:$0x1b];
	[sflag:s5] =	ssyncadd.s32 $0xFFFFB000  }
0x45: {  	[tilespmem:s9], [sflag:$0x2] =	stream.indirect.gather [spmem:s2], $0x40, s0, s11, $0xb8;
	[tilespmem:$0x163A8] =	vst v63  }
0x46: {  	_ =	swait.ge [sflag:s14], $0x5000  }
0x47: {  	[sflag:s14] =	ssyncset.done $0x0  }
0x48: {  	s0 =	rddreg [dreg:$0x8];
	[sflag:s14] =	ssyncadd.s32 $0xFFFFB000  }
0x49: {  	[hbm4b:s0+s1] =	stream.linear.scatter [tilespmem:s8], [sflag:$0x7], $0x5000, $0x38;
	[tilespmem:$0x163A8] =	vst v63  }
0x4a: {  	_ =	swait.ge [sflag:s6], $0x5000  }
0x4b: {  	[sflag:s6] =	ssyncset.done $0x0  }
0x4c: {  	s0 =	rddreg [dreg:$0x1c];
	[sflag:s6] =	ssyncadd.s32 $0xFFFFB000  }
0x4d: {  	[tilespmem:s8], [sflag:$0x3] =	stream.indirect.gather [spmem:s2], $0x40, s0, s11, $0xb8;
	[tilespmem:$0x163A8] =	vst v63  }
0x4e: {  	_ =	swait.ge [sflag:s12], $0x5000  }
0x4f: {  	[sflag:s12] =	ssyncset.done $0x0  }
0x50: {  	s0 =	rddreg [dreg:$0x9];
	[sflag:s12] =	ssyncadd.s32 $0xFFFFB000  }
0x51: {  	[hbm4b:s0+s1] =	stream.linear.scatter [tilespmem:s4], [sflag:$0x8], $0x5000, $0x38;
	[tilespmem:$0x163A8] =	vst v63  }
0x52: {  	_ =	swait.ge [sflag:s7], $0x5000  }
0x53: {  	[sflag:s7] =	ssyncset.done $0x0  }
0x54: {  	[sflag:s7] =	ssyncadd.s32 $0xFFFFB000  }
0x55: {  	[tilespmem:s4], [sflag:$0x4] =	stream.indirect.gather [spmem:s2], $0x40, s25, s11, $0xb8;
	[tilespmem:$0x163A8] =	vst v63  }
0x56: {  	_ =	swait.ge [sflag:s15], $0x5000  }
0x57: {  	[sflag:s15] =	ssyncset.done $0x0  }
0x58: {  	s0 =	rddreg [dreg:$0xa];
	[sflag:s15] =	ssyncadd.s32 $0xFFFFB000  }
0x59: {  	[hbm4b:s0+s1] =	stream.linear.scatter [tilespmem:s10], [sflag:$0x5], $0x5000, $0x38;
	[tilespmem:$0x163A8] =	vst v63  }
0x5a: {  	_ =	swait.ge [sflag:s3], $0x5000  }
0x5b: {  	[sflag:s3] =	ssyncset.done $0x0  }
0x5c: {  	[sflag:s3] =	ssyncadd.s32 $0xFFFFB000  }
0x5d: {  	[tilespmem:s10], [sflag:$0x1] =	stream.indirect.gather [spmem:s2], $0x40, s24, s11, $0xb8;
	[tilespmem:$0x163A8] =	vst v63  }
0x5e: {  	_ =	swait.ge [sflag:s13], $0x5000  }
0x5f: {  	[sflag:s13] =	ssyncset.done $0x0  }
0x60: {  	s0 =	rddreg [dreg:$0xb];
	[sflag:s13] =	ssyncadd.s32 $0xFFFFB000  }
0x61: {  	[hbm4b:s0+s1] =	stream.linear.scatter [tilespmem:s9], [sflag:$0x6], $0x5000, $0x38;
	[tilespmem:$0x163A8] =	vst v63  }
0x62: {  	_ =	swait.ge [sflag:s5], $0x5000  }
0x63: {  	[sflag:s5] =	ssyncset.done $0x0  }
0x64: {  	[sflag:s5] =	ssyncadd.s32 $0xFFFFB000  }
0x65: {  	[tilespmem:s9], [sflag:$0x2] =	stream.indirect.gather [spmem:s2], $0x40, s23, s11, $0xb8;
	[tilespmem:$0x163A8] =	vst v63  }
0x66: {  	_ =	swait.ge [sflag:s14], $0x5000  }
0x67: {  	[sflag:s14] =	ssyncset.done $0x0  }
0x68: {  	s0 =	rddreg [dreg:$0xc];
	[sflag:s14] =	ssyncadd.s32 $0xFFFFB000  }
0x69: {  	[hbm4b:s0+s1] =	stream.linear.scatter [tilespmem:s8], [sflag:$0x7], $0x5000, $0x38;
	[tilespmem:$0x163A8] =	vst v63  }
0x6a: {  	_ =	swait.ge [sflag:s6], $0x5000  }
0x6b: {  	[sflag:s6] =	ssyncset.done $0x0  }
0x6c: {  	[sflag:s6] =	ssyncadd.s32 $0xFFFFB000  }
0x6d: {  	[tilespmem:s8], [sflag:$0x3] =	stream.indirect.gather [spmem:s2], $0x40, s22, s11, $0xb8;
	[tilespmem:$0x163A8] =	vst v63  }
0x6e: {  	_ =	swait.ge [sflag:s12], $0x5000  }
0x6f: {  	[sflag:s12] =	ssyncset.done $0x0  }
0x70: {  	s0 =	rddreg [dreg:$0xd];
	[sflag:s12] =	ssyncadd.s32 $0xFFFFB000  }
0x71: {  	[hbm4b:s0+s1] =	stream.linear.scatter [tilespmem:s4], [sflag:$0x8], $0x5000, $0x38;
	[tilespmem:$0x163A8] =	vst v63  }
0x72: {  	_ =	swait.ge [sflag:s7], $0x5000  }
0x73: {  	[sflag:s7] =	ssyncset.done $0x0  }
0x74: {  	[sflag:s7] =	ssyncadd.s32 $0xFFFFB000  }
0x75: {  	[tilespmem:s4], [sflag:$0x4] =	stream.indirect.gather [spmem:s2], $0x40, s21, s11, $0xb8;
	[tilespmem:$0x163A8] =	vst v63  }
0x76: {  	_ =	swait.ge [sflag:s15], $0x5000  }
0x77: {  	[sflag:s15] =	ssyncset.done $0x0  }
0x78: {  	s0 =	rddreg [dreg:$0xe];
	[sflag:s15] =	ssyncadd.s32 $0xFFFFB000  }
0x79: {  	[hbm4b:s0+s1] =	stream.linear.scatter [tilespmem:s10], [sflag:$0x5], $0x5000, $0x38;
	[tilespmem:$0x163A8] =	vst v63  }
0x7a: {  	_ =	swait.ge [sflag:s3], $0x5000  }
0x7b: {  	[sflag:s3] =	ssyncset.done $0x0  }
0x7c: {  	[sflag:s3] =	ssyncadd.s32 $0xFFFFB000  }
0x7d: {  	[tilespmem:s10], [sflag:$0x1] =	stream.indirect.gather [spmem:s2], $0x40, s19, s11, $0xb8;
	[tilespmem:$0x163A8] =	vst v63  }
0x7e: {  	_ =	swait.ge [sflag:s13], $0x5000  }
0x7f: {  	[sflag:s13] =	ssyncset.done $0x0  }
0x80: {  	s0 =	rddreg [dreg:$0xf];
	[sflag:s13] =	ssyncadd.s32 $0xFFFFB000  }
0x81: {  	[hbm4b:s0+s1] =	stream.linear.scatter [tilespmem:s9], [sflag:$0x6], $0x5000, $0x38;
	[tilespmem:$0x163A8] =	vst v63  }
0x82: {  	_ =	swait.ge [sflag:s5], $0x5000  }
0x83: {  	[sflag:s5] =	ssyncset.done $0x0  }
0x84: {  	[sflag:s5] =	ssyncadd.s32 $0xFFFFB000  }
0x85: {  	[tilespmem:s9], [sflag:$0x2] =	stream.indirect.gather [spmem:s2], $0x40, s18, s11, $0xb8;
	[tilespmem:$0x163A8] =	vst v63  }
0x86: {  	_ =	swait.ge [sflag:s14], $0x5000  }
0x87: {  	[sflag:s14] =	ssyncset.done $0x0  }
0x88: {  	s0 =	rddreg [dreg:$0x10];
	[sflag:s14] =	ssyncadd.s32 $0xFFFFB000  }
0x89: {  	[hbm4b:s0+s1] =	stream.linear.scatter [tilespmem:s8], [sflag:$0x7], $0x5000, $0x38;
	[tilespmem:$0x163A8] =	vst v63  }
0x8a: {  	_ =	swait.ge [sflag:s6], $0x5000  }
0x8b: {  	[sflag:s6] =	ssyncset.done $0x0  }
0x8c: {  	[sflag:s6] =	ssyncadd.s32 $0xFFFFB000  }
0x8d: {  	[tilespmem:s8], [sflag:$0x3] =	stream.indirect.gather [spmem:s2], $0x40, s17, s11, $0xb8;
	[tilespmem:$0x163A8] =	vst v63  }
0x8e: {  	_ =	swait.ge [sflag:s12], $0x5000  }
0x8f: {  	[sflag:s12] =	ssyncset.done $0x0  }
0x90: {  	s0 =	rddreg [dreg:$0x11];
	[sflag:s12] =	ssyncadd.s32 $0xFFFFB000  }
0x91: {  	[hbm4b:s0+s1] =	stream.linear.scatter [tilespmem:s4], [sflag:$0x8], $0x5000, $0x38;
	[tilespmem:$0x163A8] =	vst v63  }
0x92: {  	_ =	swait.ge [sflag:s7], $0x5000  }
0x93: {  	[sflag:s7] =	ssyncset.done $0x0  }
0x94: {  	s0 =	simm.s32 $0x2268;
	[sflag:s7] =	ssyncadd.s32 $0xFFFFB000  }
0x95: {  	[tilespmem:s4], [sflag:$0x4] =	stream.indirect.gather [spmem:s2], $0x40, s0, s11, $0xb8;
	[tilespmem:$0x163A8] =	vst v63  }
0x96: {  	_ =	swait.ge [sflag:s15], $0x5000  }
0x97: {  	[sflag:s15] =	ssyncset.done $0x0  }
0x98: {  	s0 =	rddreg [dreg:$0x12];
	[sflag:s15] =	ssyncadd.s32 $0xFFFFB000  }
0x99: {  	[hbm4b:s0+s1] =	stream.linear.scatter [tilespmem:s10], [sflag:$0x5], $0x5000, $0x38;
	[tilespmem:$0x163A8] =	vst v63  }
0x9a: {  	_ =	swait.ge [sflag:s13], $0x5000  }
0x9b: {  	[sflag:s13] =	ssyncset.done $0x0  }
0x9c: {  	s0 =	rddreg [dreg:$0x13];
	[sflag:s13] =	ssyncadd.s32 $0xFFFFB000  }
0x9d: {  	[hbm4b:s0+s1] =	stream.linear.scatter [tilespmem:s9], [sflag:$0x6], $0x5000, $0x38;
	[tilespmem:$0x163A8] =	vst v63  }
0x9e: {  	_ =	swait.ge [sflag:s14], $0x5000  }
0x9f: {  	[sflag:s14] =	ssyncset.done $0x0  }
0xa0: {  	s0 =	rddreg [dreg:$0x14];
	[sflag:s14] =	ssyncadd.s32 $0xFFFFB000  }
0xa1: {  	[hbm4b:s0+s1] =	stream.linear.scatter [tilespmem:s8], [sflag:$0x7], $0x5000, $0x38;
	[tilespmem:$0x163A8] =	vst v63  }
0xa2: {  	_ =	swait.ge [sflag:s12], $0x5000  }
0xa3: {  	[sflag:s12] =	ssyncset.done $0x0  }
0xa4: {  	s0 =	rddreg [dreg:$0x15];
	[sflag:s12] =	ssyncadd.s32 $0xFFFFB000  }
0xa5: {  	[hbm4b:s0+s1] =	stream.linear.scatter [tilespmem:s4], [sflag:$0x8], $0x5000, $0x38;
	[tilespmem:$0x163A8] =	vst v63  }
0xa6: {  	_ =	swait.ge [sflag:s3], $0x5000  }
0xa7: {  	[sflag:s3] =	ssyncset.done $0x0  }
0xa8: {  	[sflag:s3] =	ssyncadd.s32 $0xFFFFB000  }
0xa9: {  	_ =	swait.ge [sflag:s5], $0x5000  }
0xaa: {  	s31 =	sadd.s32 $0xFFFFFFFF, s16;
	[sflag:s5] =	ssyncset.done $0x0  }
0xab: {  	p2 =	sne.s32 s31, $0x0;
	[sflag:s5] =	ssyncadd.s32 $0xFFFFB000  }
.Ltmp1:
0xac: {  	_ =	swait.ge [sflag:s6], $0x5000;
	(pc) =	sbr.rel @!p2 .LBB2_3-.Ltmp1, $4  }
0xad: {  	[sflag:s6] =	ssyncset.done $0x0  }
0xae: {  	[sflag:s6] =	ssyncadd.s32 $0xFFFFB000  }
0xaf: {  	_ =	swait.ge [sflag:s7], $0x5000  }
0xb0: {  	p1 =	por $0x1, $0x1;
	s0 =	rddreg [dreg:$0x16];
	[sflag:s7] =	ssyncset.done $0x0  }
.LBB2_4:
0xb1: {  	s16 =	rddreg [dreg:$0x5];
	[sflag:s7] =	ssyncadd.s32 $0xFFFFB000  }
0xb2: {  	[spmem:s0], [sflag:s29] =	dma.local @!p0 [hbm:s16], $0x1F48  }
0xb3: {  	_ =	swait.ge @!p0 [sflag:s30], $0x1F48  }
0xb4: {  	[sflag:s30] =	ssyncset.done @!p0 $0x0  }
0xb5: {  	s16 =	rddreg [dreg:$0x6];
	[sflag:s30] =	ssyncadd.s32 @!p0 $0xFFFFE0B8  }
0xb6: {  	[tilespmem:s26], [sflag:$0x9] =	stream.linear.gather [hbm4b:s16+s1], $0x1400, $0x38;
	[tilespmem:$0x163A8] =	vst v63  }
0xb7: {  	_ =	swait.ge [sflag:s28], $0x1400  }
0xb8: {  	[sflag:s28] =	ssyncset.done $0x0  }
0xb9: {  	[sflag:s28] =	ssyncadd.s32 $0xFFFFEC00  }
0xba: {  	[bflag:$0x0] =	sbarrier.arrive $0xFFFF  }
0xbb: {  	[tilespmem:s10], [sflag:$0x1] =	stream.indirect.gather [spmem:s2], $0x40, s26, s11, $0xb8;
	[tilespmem:$0x163A8] =	vst v63  }
0xbc: {  	s0 =	rddreg [dreg:$0x17]  }
0xbd: {  	[tilespmem:s9], [sflag:$0x2] =	stream.indirect.gather [spmem:s2], $0x40, s0, s11, $0xb8;
	[tilespmem:$0x163A8] =	vst v63  }
0xbe: {  	s16 =	rddreg [dreg:$0x18]  }
0xbf: {  	[tilespmem:s8], [sflag:$0x3] =	stream.indirect.gather [spmem:s2], $0x40, s16, s11, $0xb8;
	[tilespmem:$0x163A8] =	vst v63  }
0xc0: {  	s0 =	rddreg [dreg:$0x19]  }
0xc1: {  	[tilespmem:s4], [sflag:$0x4] =	stream.indirect.gather [spmem:s2], $0x40, s0, s11, $0xb8;
	[tilespmem:$0x163A8] =	vst v63  }
0xc2: {  	_ =	swait.ge [sflag:s15], $0x5000  }
0xc3: {  	[sflag:s15] =	ssyncset.done $0x0  }
0xc4: {  	[sflag:s15] =	ssyncadd.s32 $0xFFFFB000  }
0xc5: {  	[hbm4b:s20+s1] =	stream.linear.scatter [tilespmem:s10], [sflag:$0x5], $0x5000, $0x38;
	[tilespmem:$0x163A8] =	vst v63  }
0xc6: {  	_ =	swait.ge [sflag:s3], $0x5000  }
0xc7: {  	[sflag:s3] =	ssyncset.done $0x0  }
0xc8: {  	s0 =	rddreg [dreg:$0x1a];
	[sflag:s3] =	ssyncadd.s32 $0xFFFFB000  }
0xc9: {  	[tilespmem:s10], [sflag:$0x1] =	stream.indirect.gather [spmem:s2], $0x40, s0, s11, $0xb8;
	[tilespmem:$0x163A8] =	vst v63  }
0xca: {  	_ =	swait.ge [sflag:s13], $0x5000  }
0xcb: {  	[sflag:s13] =	ssyncset.done $0x0  }
0xcc: {  	s0 =	rddreg [dreg:$0x7];
	[sflag:s13] =	ssyncadd.s32 $0xFFFFB000  }
0xcd: {  	[hbm4b:s0+s1] =	stream.linear.scatter [tilespmem:s9], [sflag:$0x6], $0x5000, $0x38;
	[tilespmem:$0x163A8] =	vst v63  }
0xce: {  	_ =	swait.ge [sflag:s5], $0x5000  }
0xcf: {  	[sflag:s5] =	ssyncset.done $0x0  }
0xd0: {  	s0 =	rddreg [dreg:$0x1b];
	[sflag:s5] =	ssyncadd.s32 $0xFFFFB000  }
0xd1: {  	[tilespmem:s9], [sflag:$0x2] =	stream.indirect.gather [spmem:s2], $0x40, s0, s11, $0xb8;
	[tilespmem:$0x163A8] =	vst v63  }
0xd2: {  	_ =	swait.ge [sflag:s14], $0x5000  }
0xd3: {  	[sflag:s14] =	ssyncset.done $0x0  }
0xd4: {  	s0 =	rddreg [dreg:$0x8];
	[sflag:s14] =	ssyncadd.s32 $0xFFFFB000  }
0xd5: {  	[hbm4b:s0+s1] =	stream.linear.scatter [tilespmem:s8], [sflag:$0x7], $0x5000, $0x38;
	[tilespmem:$0x163A8] =	vst v63  }
0xd6: {  	_ =	swait.ge [sflag:s6], $0x5000  }
0xd7: {  	[sflag:s6] =	ssyncset.done $0x0  }
0xd8: {  	s0 =	rddreg [dreg:$0x1c];
	[sflag:s6] =	ssyncadd.s32 $0xFFFFB000  }
0xd9: {  	[tilespmem:s8], [sflag:$0x3] =	stream.indirect.gather [spmem:s2], $0x40, s0, s11, $0xb8;
	[tilespmem:$0x163A8] =	vst v63  }
0xda: {  	_ =	swait.ge [sflag:s12], $0x5000  }
0xdb: {  	[sflag:s12] =	ssyncset.done $0x0  }
0xdc: {  	s0 =	rddreg [dreg:$0x9];
	[sflag:s12] =	ssyncadd.s32 $0xFFFFB000  }
0xdd: {  	[hbm4b:s0+s1] =	stream.linear.scatter [tilespmem:s4], [sflag:$0x8], $0x5000, $0x38;
	[tilespmem:$0x163A8] =	vst v63  }
0xde: {  	_ =	swait.ge [sflag:s7], $0x5000  }
0xdf: {  	[sflag:s7] =	ssyncset.done $0x0  }
0xe0: {  	[sflag:s7] =	ssyncadd.s32 $0xFFFFB000  }
0xe1: {  	[tilespmem:s4], [sflag:$0x4] =	stream.indirect.gather [spmem:s2], $0x40, s25, s11, $0xb8;
	[tilespmem:$0x163A8] =	vst v63  }
0xe2: {  	_ =	swait.ge [sflag:s15], $0x5000  }
0xe3: {  	[sflag:s15] =	ssyncset.done $0x0  }
0xe4: {  	s0 =	rddreg [dreg:$0xa];
	[sflag:s15] =	ssyncadd.s32 $0xFFFFB000  }
0xe5: {  	[hbm4b:s0+s1] =	stream.linear.scatter [tilespmem:s10], [sflag:$0x5], $0x5000, $0x38;
	[tilespmem:$0x163A8] =	vst v63  }
0xe6: {  	_ =	swait.ge [sflag:s3], $0x5000  }
0xe7: {  	[sflag:s3] =	ssyncset.done $0x0  }
0xe8: {  	[sflag:s3] =	ssyncadd.s32 $0xFFFFB000  }
0xe9: {  	[tilespmem:s10], [sflag:$0x1] =	stream.indirect.gather [spmem:s2], $0x40, s24, s11, $0xb8;
	[tilespmem:$0x163A8] =	vst v63  }
0xea: {  	_ =	swait.ge [sflag:s13], $0x5000  }
0xeb: {  	[sflag:s13] =	ssyncset.done $0x0  }
0xec: {  	s0 =	rddreg [dreg:$0xb];
	[sflag:s13] =	ssyncadd.s32 $0xFFFFB000  }
0xed: {  	[hbm4b:s0+s1] =	stream.linear.scatter [tilespmem:s9], [sflag:$0x6], $0x5000, $0x38;
	[tilespmem:$0x163A8] =	vst v63  }
0xee: {  	_ =	swait.ge [sflag:s5], $0x5000  }
0xef: {  	[sflag:s5] =	ssyncset.done $0x0  }
0xf0: {  	[sflag:s5] =	ssyncadd.s32 $0xFFFFB000  }
0xf1: {  	[tilespmem:s9], [sflag:$0x2] =	stream.indirect.gather [spmem:s2], $0x40, s23, s11, $0xb8;
	[tilespmem:$0x163A8] =	vst v63  }
0xf2: {  	_ =	swait.ge [sflag:s14], $0x5000  }
0xf3: {  	[sflag:s14] =	ssyncset.done $0x0  }
0xf4: {  	s0 =	rddreg [dreg:$0xc];
	[sflag:s14] =	ssyncadd.s32 $0xFFFFB000  }
0xf5: {  	[hbm4b:s0+s1] =	stream.linear.scatter [tilespmem:s8], [sflag:$0x7], $0x5000, $0x38;
	[tilespmem:$0x163A8] =	vst v63  }
0xf6: {  	_ =	swait.ge [sflag:s6], $0x5000  }
0xf7: {  	[sflag:s6] =	ssyncset.done $0x0  }
0xf8: {  	[sflag:s6] =	ssyncadd.s32 $0xFFFFB000  }
0xf9: {  	[tilespmem:s8], [sflag:$0x3] =	stream.indirect.gather [spmem:s2], $0x40, s22, s11, $0xb8;
	[tilespmem:$0x163A8] =	vst v63  }
0xfa: {  	_ =	swait.ge [sflag:s12], $0x5000  }
0xfb: {  	[sflag:s12] =	ssyncset.done $0x0  }
0xfc: {  	s0 =	rddreg [dreg:$0xd];
	[sflag:s12] =	ssyncadd.s32 $0xFFFFB000  }
0xfd: {  	[hbm4b:s0+s1] =	stream.linear.scatter [tilespmem:s4], [sflag:$0x8], $0x5000, $0x38;
	[tilespmem:$0x163A8] =	vst v63  }
0xfe: {  	_ =	swait.ge [sflag:s7], $0x5000  }
0xff: {  	[sflag:s7] =	ssyncset.done $0x0  }
0x100: {  	[sflag:s7] =	ssyncadd.s32 $0xFFFFB000  }
0x101: {  	[tilespmem:s4], [sflag:$0x4] =	stream.indirect.gather [spmem:s2], $0x40, s21, s11, $0xb8;
	[tilespmem:$0x163A8] =	vst v63  }
0x102: {  	_ =	swait.ge [sflag:s15], $0x5000  }
0x103: {  	[sflag:s15] =	ssyncset.done $0x0  }
0x104: {  	s0 =	rddreg [dreg:$0xe];
	[sflag:s15] =	ssyncadd.s32 $0xFFFFB000  }
0x105: {  	[hbm4b:s0+s1] =	stream.linear.scatter [tilespmem:s10], [sflag:$0x5], $0x5000, $0x38;
	[tilespmem:$0x163A8] =	vst v63  }
0x106: {  	_ =	swait.ge [sflag:s3], $0x5000  }
0x107: {  	[sflag:s3] =	ssyncset.done $0x0  }
0x108: {  	[sflag:s3] =	ssyncadd.s32 $0xFFFFB000  }
0x109: {  	[tilespmem:s10], [sflag:$0x1] =	stream.indirect.gather [spmem:s2], $0x40, s19, s11, $0xb8;
	[tilespmem:$0x163A8] =	vst v63  }
0x10a: {  	_ =	swait.ge [sflag:s13], $0x5000  }
0x10b: {  	[sflag:s13] =	ssyncset.done $0x0  }
0x10c: {  	s0 =	rddreg [dreg:$0xf];
	[sflag:s13] =	ssyncadd.s32 $0xFFFFB000  }
0x10d: {  	[hbm4b:s0+s1] =	stream.linear.scatter [tilespmem:s9], [sflag:$0x6], $0x5000, $0x38;
	[tilespmem:$0x163A8] =	vst v63  }
0x10e: {  	_ =	swait.ge [sflag:s5], $0x5000  }
0x10f: {  	[sflag:s5] =	ssyncset.done $0x0  }
0x110: {  	[sflag:s5] =	ssyncadd.s32 $0xFFFFB000  }
0x111: {  	[tilespmem:s9], [sflag:$0x2] =	stream.indirect.gather [spmem:s2], $0x40, s18, s11, $0xb8;
	[tilespmem:$0x163A8] =	vst v63  }
0x112: {  	_ =	swait.ge [sflag:s14], $0x5000  }
0x113: {  	[sflag:s14] =	ssyncset.done $0x0  }
0x114: {  	s0 =	rddreg [dreg:$0x10];
	[sflag:s14] =	ssyncadd.s32 $0xFFFFB000  }
0x115: {  	[hbm4b:s0+s1] =	stream.linear.scatter [tilespmem:s8], [sflag:$0x7], $0x5000, $0x38;
	[tilespmem:$0x163A8] =	vst v63  }
0x116: {  	_ =	swait.ge [sflag:s6], $0x5000  }
0x117: {  	[sflag:s6] =	ssyncset.done $0x0  }
0x118: {  	[sflag:s6] =	ssyncadd.s32 $0xFFFFB000  }
0x119: {  	[tilespmem:s8], [sflag:$0x3] =	stream.indirect.gather [spmem:s2], $0x40, s17, s11, $0xb8;
	[tilespmem:$0x163A8] =	vst v63  }
0x11a: {  	_ =	swait.ge [sflag:s12], $0x5000  }
0x11b: {  	[sflag:s12] =	ssyncset.done $0x0  }
0x11c: {  	s0 =	rddreg [dreg:$0x11];
	[sflag:s12] =	ssyncadd.s32 $0xFFFFB000  }
0x11d: {  	[hbm4b:s0+s1] =	stream.linear.scatter [tilespmem:s4], [sflag:$0x8], $0x5000, $0x38;
	[tilespmem:$0x163A8] =	vst v63  }
0x11e: {  	_ =	swait.ge [sflag:s7], $0x5000  }
0x11f: {  	[sflag:s7] =	ssyncset.done $0x0  }
0x120: {  	s16 =	simm.s32 $0x2268;
	[sflag:s7] =	ssyncadd.s32 $0xFFFFB000  }
0x121: {  	[tilespmem:s4], [sflag:$0x4] =	stream.indirect.gather [spmem:s2], $0x40, s16, s11, $0xb8;
	[tilespmem:$0x163A8] =	vst v63  }
0x122: {  	_ =	swait.ge [sflag:s15], $0x5000  }
0x123: {  	[sflag:s15] =	ssyncset.done $0x0  }
0x124: {  	s16 =	rddreg [dreg:$0x12];
	[sflag:s15] =	ssyncadd.s32 $0xFFFFB000  }
0x125: {  	[hbm4b:s16+s1] =	stream.linear.scatter [tilespmem:s10], [sflag:$0x5], $0x5000, $0x38;
	[tilespmem:$0x163A8] =	vst v63  }
0x126: {  	_ =	swait.ge [sflag:s13], $0x5000  }
0x127: {  	[sflag:s13] =	ssyncset.done $0x0  }
0x128: {  	s16 =	rddreg [dreg:$0x13];
	[sflag:s13] =	ssyncadd.s32 $0xFFFFB000  }
0x129: {  	[hbm4b:s16+s1] =	stream.linear.scatter [tilespmem:s9], [sflag:$0x6], $0x5000, $0x38;
	[tilespmem:$0x163A8] =	vst v63  }
0x12a: {  	_ =	swait.ge [sflag:s14], $0x5000  }
0x12b: {  	[sflag:s14] =	ssyncset.done $0x0  }
0x12c: {  	s16 =	rddreg [dreg:$0x14];
	[sflag:s14] =	ssyncadd.s32 $0xFFFFB000  }
0x12d: {  	[hbm4b:s16+s1] =	stream.linear.scatter [tilespmem:s8], [sflag:$0x7], $0x5000, $0x38;
	[tilespmem:$0x163A8] =	vst v63  }
0x12e: {  	_ =	swait.ge [sflag:s12], $0x5000  }
0x12f: {  	[sflag:s12] =	ssyncset.done $0x0  }
0x130: {  	s16 =	rddreg [dreg:$0x15];
	[sflag:s12] =	ssyncadd.s32 $0xFFFFB000  }
0x131: {  	[hbm4b:s16+s1] =	stream.linear.scatter [tilespmem:s4], [sflag:$0x8], $0x5000, $0x38;
	[tilespmem:$0x163A8] =	vst v63  }
0x132: {  	_ =	swait.ge [sflag:s3], $0x5000  }
0x133: {  	[sflag:s3] =	ssyncset.done $0x0  }
0x134: {  	[sflag:s3] =	ssyncadd.s32 $0xFFFFB000  }
0x135: {  	_ =	swait.ge [sflag:s5], $0x5000  }
0x136: {  	s31 =	sadd.s32 $0xFFFFFFFF, s31;
	[sflag:s5] =	ssyncset.done $0x0  }
0x137: {  	p2 =	sne.s32 s31, $0x0;
	[sflag:s5] =	ssyncadd.s32 $0xFFFFB000  }
.Ltmp2:
0x138: {  	_ =	swait.ge [sflag:s6], $0x5000;
	(pc) =	sbr.rel @p2 .LBB2_4-.Ltmp2, $4  }
0x139: {  	[sflag:s6] =	ssyncset.done $0x0  }
0x13a: {  	[sflag:s6] =	ssyncadd.s32 $0xFFFFB000  }
0x13b: {  	_ =	swait.ge [sflag:s7], $0x5000  }
0x13c: {  	s0 =	rddreg [dreg:$0x16];
	[sflag:s7] =	ssyncset.done $0x0  }
0x13d: {  	s31 =	simm.s32 $0x2268;
	s30 =	rddreg [dreg:$0x4]  }
.LBB2_6:
0x13e: {  	s16 =	rddreg [dreg:$0x5];
	[sflag:s7] =	ssyncadd.s32 @p1 $0xFFFFB000;
	s29 =	simm.s32 @!p0 $0x1C09  }
0x13f: {  	[spmem:s0], [sflag:s29] =	dma.local @!p0 [hbm:s16], $0x1F48  }
0x140: {  	s0 =	simm.s32 @!p0 $0x9  }
0x141: {  	_ =	swait.ge @!p0 [sflag:s0], $0x1F48  }
0x142: {  	[sflag:s0] =	ssyncset.done @!p0 $0x0  }
0x143: {  	s29 =	rddreg [dreg:$0x6];
	[sflag:s0] =	ssyncadd.s32 @!p0 $0xFFFFE0B8  }
0x144: {  	[tilespmem:s26], [sflag:$0x9] =	stream.linear.gather [hbm4b:s29+s1], $0x1400, $0x38;
	[tilespmem:$0x163A8] =	vst v63  }
0x145: {  	_ =	swait.ge [sflag:s28], $0x1400  }
0x146: {  	[sflag:s28] =	ssyncset.done $0x0  }
0x147: {  	[sflag:s28] =	ssyncadd.s32 $0xFFFFEC00  }
0x148: {  	[bflag:$0x0] =	sbarrier.arrive $0xFFFF  }
0x149: {  	[tilespmem:s10], [sflag:$0x1] =	stream.indirect.gather [spmem:s2], $0x40, s26, s11, $0xb8;
	[tilespmem:$0x163A8] =	vst v63  }
0x14a: {  	s16 =	rddreg [dreg:$0x17]  }
0x14b: {  	[tilespmem:s9], [sflag:$0x2] =	stream.indirect.gather [spmem:s2], $0x40, s16, s11, $0xb8;
	[tilespmem:$0x163A8] =	vst v63  }
0x14c: {  	s28 =	rddreg [dreg:$0x18]  }
0x14d: {  	[tilespmem:s8], [sflag:$0x3] =	stream.indirect.gather [spmem:s2], $0x40, s28, s11, $0xb8;
	[tilespmem:$0x163A8] =	vst v63  }
0x14e: {  	s29 =	rddreg [dreg:$0x19]  }
0x14f: {  	[tilespmem:s4], [sflag:$0x4] =	stream.indirect.gather [spmem:s2], $0x40, s29, s11, $0xb8;
	[tilespmem:$0x163A8] =	vst v63  }
0x150: {  	_ =	swait.ge [sflag:s15], $0x5000  }
0x151: {  	[sflag:s15] =	ssyncset.done $0x0  }
0x152: {  	[sflag:s15] =	ssyncadd.s32 $0xFFFFB000  }
0x153: {  	[hbm4b:s20+s1] =	stream.linear.scatter [tilespmem:s10], [sflag:$0x5], $0x5000, $0x38;
	[tilespmem:$0x163A8] =	vst v63  }
0x154: {  	_ =	swait.ge [sflag:s3], $0x5000  }
0x155: {  	[sflag:s3] =	ssyncset.done $0x0  }
0x156: {  	s26 =	rddreg [dreg:$0x1a];
	[sflag:s3] =	ssyncadd.s32 $0xFFFFB000  }
0x157: {  	[tilespmem:s10], [sflag:$0x1] =	stream.indirect.gather [spmem:s2], $0x40, s26, s11, $0xb8;
	[tilespmem:$0x163A8] =	vst v63  }
0x158: {  	_ =	swait.ge [sflag:s13], $0x5000  }
0x159: {  	[sflag:s13] =	ssyncset.done $0x0  }
0x15a: {  	s28 =	rddreg [dreg:$0x7];
	[sflag:s13] =	ssyncadd.s32 $0xFFFFB000  }
0x15b: {  	[hbm4b:s28+s1] =	stream.linear.scatter [tilespmem:s9], [sflag:$0x6], $0x5000, $0x38;
	[tilespmem:$0x163A8] =	vst v63  }
0x15c: {  	_ =	swait.ge [sflag:s5], $0x5000  }
0x15d: {  	[sflag:s5] =	ssyncset.done $0x0  }
0x15e: {  	s29 =	rddreg [dreg:$0x1b];
	[sflag:s5] =	ssyncadd.s32 $0xFFFFB000  }
0x15f: {  	[tilespmem:s9], [sflag:$0x2] =	stream.indirect.gather [spmem:s2], $0x40, s29, s11, $0xb8;
	[tilespmem:$0x163A8] =	vst v63  }
0x160: {  	_ =	swait.ge [sflag:s14], $0x5000  }
0x161: {  	[sflag:s14] =	ssyncset.done $0x0  }
0x162: {  	s16 =	rddreg [dreg:$0x8];
	[sflag:s14] =	ssyncadd.s32 $0xFFFFB000  }
0x163: {  	[hbm4b:s16+s1] =	stream.linear.scatter [tilespmem:s8], [sflag:$0x7], $0x5000, $0x38;
	[tilespmem:$0x163A8] =	vst v63  }
0x164: {  	_ =	swait.ge [sflag:s6], $0x5000  }
0x165: {  	[sflag:s6] =	ssyncset.done $0x0  }
0x166: {  	s20 =	rddreg [dreg:$0x1c];
	[sflag:s6] =	ssyncadd.s32 $0xFFFFB000  }
0x167: {  	[tilespmem:s8], [sflag:$0x3] =	stream.indirect.gather [spmem:s2], $0x40, s20, s11, $0xb8;
	[tilespmem:$0x163A8] =	vst v63  }
0x168: {  	_ =	swait.ge [sflag:s12], $0x5000  }
0x169: {  	[sflag:s12] =	ssyncset.done $0x0  }
0x16a: {  	s26 =	rddreg [dreg:$0x9];
	[sflag:s12] =	ssyncadd.s32 $0xFFFFB000  }
0x16b: {  	[hbm4b:s26+s1] =	stream.linear.scatter [tilespmem:s4], [sflag:$0x8], $0x5000, $0x38;
	[tilespmem:$0x163A8] =	vst v63  }
0x16c: {  	_ =	swait.ge [sflag:s7], $0x5000  }
0x16d: {  	[sflag:s7] =	ssyncset.done $0x0  }
0x16e: {  	[sflag:s7] =	ssyncadd.s32 $0xFFFFB000  }
0x16f: {  	[tilespmem:s4], [sflag:$0x4] =	stream.indirect.gather [spmem:s2], $0x40, s25, s11, $0xb8;
	[tilespmem:$0x163A8] =	vst v63  }
0x170: {  	_ =	swait.ge [sflag:s15], $0x5000  }
0x171: {  	[sflag:s15] =	ssyncset.done $0x0  }
0x172: {  	s28 =	rddreg [dreg:$0xa];
	[sflag:s15] =	ssyncadd.s32 $0xFFFFB000  }
0x173: {  	[hbm4b:s28+s1] =	stream.linear.scatter [tilespmem:s10], [sflag:$0x5], $0x5000, $0x38;
	[tilespmem:$0x163A8] =	vst v63  }
0x174: {  	_ =	swait.ge [sflag:s3], $0x5000  }
0x175: {  	[sflag:s3] =	ssyncset.done $0x0  }
0x176: {  	[sflag:s3] =	ssyncadd.s32 $0xFFFFB000  }
0x177: {  	[tilespmem:s10], [sflag:$0x1] =	stream.indirect.gather [spmem:s2], $0x40, s24, s11, $0xb8;
	[tilespmem:$0x163A8] =	vst v63  }
0x178: {  	_ =	swait.ge [sflag:s13], $0x5000  }
0x179: {  	[sflag:s13] =	ssyncset.done $0x0  }
0x17a: {  	s29 =	rddreg [dreg:$0xb];
	[sflag:s13] =	ssyncadd.s32 $0xFFFFB000  }
0x17b: {  	[hbm4b:s29+s1] =	stream.linear.scatter [tilespmem:s9], [sflag:$0x6], $0x5000, $0x38;
	[tilespmem:$0x163A8] =	vst v63  }
0x17c: {  	_ =	swait.ge [sflag:s5], $0x5000  }
0x17d: {  	[sflag:s5] =	ssyncset.done $0x0  }
0x17e: {  	[sflag:s5] =	ssyncadd.s32 $0xFFFFB000  }
0x17f: {  	[tilespmem:s9], [sflag:$0x2] =	stream.indirect.gather [spmem:s2], $0x40, s23, s11, $0xb8;
	[tilespmem:$0x163A8] =	vst v63  }
0x180: {  	_ =	swait.ge [sflag:s14], $0x5000  }
0x181: {  	[sflag:s14] =	ssyncset.done $0x0  }
0x182: {  	s16 =	rddreg [dreg:$0xc];
	[sflag:s14] =	ssyncadd.s32 $0xFFFFB000  }
0x183: {  	[hbm4b:s16+s1] =	stream.linear.scatter [tilespmem:s8], [sflag:$0x7], $0x5000, $0x38;
	[tilespmem:$0x163A8] =	vst v63  }
0x184: {  	_ =	swait.ge [sflag:s6], $0x5000  }
0x185: {  	[sflag:s6] =	ssyncset.done $0x0  }
0x186: {  	[sflag:s6] =	ssyncadd.s32 $0xFFFFB000  }
0x187: {  	[tilespmem:s8], [sflag:$0x3] =	stream.indirect.gather [spmem:s2], $0x40, s22, s11, $0xb8;
	[tilespmem:$0x163A8] =	vst v63  }
0x188: {  	_ =	swait.ge [sflag:s12], $0x5000  }
0x189: {  	[sflag:s12] =	ssyncset.done $0x0  }
0x18a: {  	s20 =	rddreg [dreg:$0xd];
	[sflag:s12] =	ssyncadd.s32 $0xFFFFB000  }
0x18b: {  	[hbm4b:s20+s1] =	stream.linear.scatter [tilespmem:s4], [sflag:$0x8], $0x5000, $0x38;
	[tilespmem:$0x163A8] =	vst v63  }
0x18c: {  	_ =	swait.ge [sflag:s7], $0x5000  }
0x18d: {  	[sflag:s7] =	ssyncset.done $0x0  }
0x18e: {  	[sflag:s7] =	ssyncadd.s32 $0xFFFFB000  }
0x18f: {  	[tilespmem:s4], [sflag:$0x4] =	stream.indirect.gather [spmem:s2], $0x40, s21, s11, $0xb8;
	[tilespmem:$0x163A8] =	vst v63  }
0x190: {  	_ =	swait.ge [sflag:s15], $0x5000  }
0x191: {  	[sflag:s15] =	ssyncset.done $0x0  }
0x192: {  	s22 =	rddreg [dreg:$0xe];
	[sflag:s15] =	ssyncadd.s32 $0xFFFFB000  }
0x193: {  	[hbm4b:s22+s1] =	stream.linear.scatter [tilespmem:s10], [sflag:$0x5], $0x5000, $0x38;
	[tilespmem:$0x163A8] =	vst v63  }
0x194: {  	_ =	swait.ge [sflag:s3], $0x5000  }
0x195: {  	[sflag:s3] =	ssyncset.done $0x0  }
0x196: {  	[sflag:s3] =	ssyncadd.s32 $0xFFFFB000  }
0x197: {  	[tilespmem:s10], [sflag:$0x1] =	stream.indirect.gather [spmem:s2], $0x40, s19, s11, $0xb8;
	[tilespmem:$0x163A8] =	vst v63  }
0x198: {  	_ =	swait.ge [sflag:s13], $0x5000  }
0x199: {  	[sflag:s13] =	ssyncset.done $0x0  }
0x19a: {  	s23 =	rddreg [dreg:$0xf];
	[sflag:s13] =	ssyncadd.s32 $0xFFFFB000  }
0x19b: {  	[hbm4b:s23+s1] =	stream.linear.scatter [tilespmem:s9], [sflag:$0x6], $0x5000, $0x38;
	[tilespmem:$0x163A8] =	vst v63  }
0x19c: {  	_ =	swait.ge [sflag:s5], $0x5000  }
0x19d: {  	[sflag:s5] =	ssyncset.done $0x0  }
0x19e: {  	[sflag:s5] =	ssyncadd.s32 $0xFFFFB000  }
0x19f: {  	[tilespmem:s9], [sflag:$0x2] =	stream.indirect.gather [spmem:s2], $0x40, s18, s11, $0xb8;
	[tilespmem:$0x163A8] =	vst v63  }
0x1a0: {  	_ =	swait.ge [sflag:s14], $0x5000  }
0x1a1: {  	[sflag:s14] =	ssyncset.done $0x0  }
0x1a2: {  	s24 =	rddreg [dreg:$0x10];
	[sflag:s14] =	ssyncadd.s32 $0xFFFFB000  }
0x1a3: {  	[hbm4b:s24+s1] =	stream.linear.scatter [tilespmem:s8], [sflag:$0x7], $0x5000, $0x38;
	[tilespmem:$0x163A8] =	vst v63  }
0x1a4: {  	_ =	swait.ge [sflag:s6], $0x5000  }
0x1a5: {  	[sflag:s6] =	ssyncset.done $0x0  }
0x1a6: {  	[sflag:s6] =	ssyncadd.s32 $0xFFFFB000  }
0x1a7: {  	[tilespmem:s8], [sflag:$0x3] =	stream.indirect.gather [spmem:s2], $0x40, s17, s11, $0xb8;
	[tilespmem:$0x163A8] =	vst v63  }
0x1a8: {  	_ =	swait.ge [sflag:s12], $0x5000  }
0x1a9: {  	[sflag:s12] =	ssyncset.done $0x0  }
0x1aa: {  	s25 =	rddreg [dreg:$0x11];
	[sflag:s12] =	ssyncadd.s32 $0xFFFFB000  }
0x1ab: {  	[hbm4b:s25+s1] =	stream.linear.scatter [tilespmem:s4], [sflag:$0x8], $0x5000, $0x38;
	[tilespmem:$0x163A8] =	vst v63  }
0x1ac: {  	_ =	swait.ge [sflag:s7], $0x5000  }
0x1ad: {  	[sflag:s7] =	ssyncset.done $0x0  }
0x1ae: {  	[sflag:s7] =	ssyncadd.s32 $0xFFFFB000  }
0x1af: {  	[tilespmem:s4], [sflag:$0x4] =	stream.indirect.gather [spmem:s2], $0x40, s31, s11, $0xb8;
	[tilespmem:$0x163A8] =	vst v63  }
0x1b0: {  	_ =	swait.ge [sflag:s15], $0x5000  }
0x1b1: {  	[sflag:s15] =	ssyncset.done $0x0  }
0x1b2: {  	s26 =	rddreg [dreg:$0x12];
	[sflag:s15] =	ssyncadd.s32 $0xFFFFB000  }
0x1b3: {  	[hbm4b:s26+s1] =	stream.linear.scatter [tilespmem:s10], [sflag:$0x5], $0x5000, $0x38;
	[tilespmem:$0x163A8] =	vst v63  }
0x1b4: {  	_ =	swait.ge [sflag:s13], $0x5000  }
0x1b5: {  	[sflag:s13] =	ssyncset.done $0x0  }
0x1b6: {  	s28 =	rddreg [dreg:$0x13];
	[sflag:s13] =	ssyncadd.s32 $0xFFFFB000  }
0x1b7: {  	[hbm4b:s28+s1] =	stream.linear.scatter [tilespmem:s9], [sflag:$0x6], $0x5000, $0x38;
	[tilespmem:$0x163A8] =	vst v63  }
0x1b8: {  	_ =	swait.ge [sflag:s14], $0x5000  }
0x1b9: {  	[sflag:s14] =	ssyncset.done $0x0  }
0x1ba: {  	s29 =	rddreg [dreg:$0x14];
	[sflag:s14] =	ssyncadd.s32 $0xFFFFB000  }
0x1bb: {  	[hbm4b:s29+s1] =	stream.linear.scatter [tilespmem:s8], [sflag:$0x7], $0x5000, $0x38;
	[tilespmem:$0x163A8] =	vst v63  }
0x1bc: {  	_ =	swait.ge [sflag:s12], $0x5000  }
0x1bd: {  	[sflag:s12] =	ssyncset.done $0x0  }
0x1be: {  	s31 =	rddreg [dreg:$0x15];
	[sflag:s12] =	ssyncadd.s32 $0xFFFFB000  }
0x1bf: {  	[hbm4b:s31+s1] =	stream.linear.scatter [tilespmem:s4], [sflag:$0x8], $0x5000, $0x38;
	[tilespmem:$0x163A8] =	vst v63  }
0x1c0: {  	_ =	swait.ge [sflag:s3], $0x5000  }
0x1c1: {  	[sflag:s3] =	ssyncset.done $0x0  }
0x1c2: {  	[sflag:s3] =	ssyncadd.s32 $0xFFFFB000  }
0x1c3: {  	_ =	swait.ge [sflag:s5], $0x5000  }
0x1c4: {  	[sflag:s5] =	ssyncset.done $0x0  }
0x1c5: {  	[sflag:s5] =	ssyncadd.s32 $0xFFFFB000  }
0x1c6: {  	_ =	swait.ge [sflag:s6], $0x5000  }
0x1c7: {  	[sflag:s6] =	ssyncset.done $0x0  }
0x1c8: {  	[sflag:s6] =	ssyncadd.s32 $0xFFFFB000  }
0x1c9: {  	_ =	swait.ge [sflag:s7], $0x5000  }
0x1ca: {  	[sflag:s7] =	ssyncset.done $0x0  }
0x1cb: {  	[sflag:s7] =	ssyncadd.s32 $0xFFFFB000  }
0x1cc: {  	_ =	sfence.sel $0x180000  }
0x1cd: {  	[bflag:$0x0] =	sbarrier.arrive $0xFFFF  }
0x1ce: {  	_ =	strace $0x90000047  }
0x1cf: {  	s0 =	sadd.s32 @!p0 $0x100000, s30;
	[bflag:$0x2] =	sbarrier.arrive $0xFFFF  }
0x1d0: {  	[sflag:s0] =	ssyncadd.tile.s32 @!p0 $0x1;
	_ =	shalt  }
.LBB2_1:
.Ltmp3:
0x1d1: {  	(pc) =	sbr.rel .LBB2_6-.Ltmp3, $2  }
0x1d2: {  	_ =	sdelay $0x2  }
0x1d3: {  	s31 =	simm.s32 $0x2268  }
.LBB2_3:
.Ltmp4:
0x1d4: {  	(pc) =	sbr.rel .LBB2_6-.Ltmp4, $2  }
0x1d5: {  	_ =	sdelay $0x2  }
0x1d6: {  	s31 =	simm.s32 $0x2268;
	s30 =	rddreg [dreg:$0x4]  }
.Lfunc_end2:
_tile_overlayer_lowered:
.L_overlay_start_2:
0x1d7: {  	(tag) =	ssettag $0x2  }
0x1d8: {  	s0 =	rddreg [dreg:$0x0];
	s2 =	stileid.u32  }
0x1d9: {  	s1 =	rddreg [dreg:$0x1];
	p0 =	sne.s32 s2, $0x0  }
0x1da: {  	s3 =	rddreg [dreg:$0x2];
	[bflag:$0x3] =	sbarrier.arrive $0xFFFF;
	s2 =	simm.s32 @!p0 $0x1C09  }
0x1db: {  	[timem:s3], [sflag:s2] =	dma.local @!p0 [hbm:s0], s1  }
0x1dc: {  	s0 =	simm.s32 @!p0 $0x9  }
0x1dd: {  	_ =	swait.ge @!p0 [sflag:s0], s1  }
0x1de: {  	s1 =	ssub.s32 @!p0 $0x0, s1;
	[sflag:s0] =	ssyncset.done @!p0 $0x0  }
0x1df: {  	[sflag:s0] =	ssyncadd.s32 @!p0 s1  }
0x1e0: {  	[bflag:$0x3] =	sbarrier.arrive $0xFFFF  }
0x1e1: {  	_ =	shalt  }

// kernel: sparse-core-data-format-call.cloned.1.call-start
scs
called_computation_lowered:
.L_overlay_start_0:
0x0: {  	s2 =	sld [smem:$0x3FD9]  }
0x1: {  	s3 =	sld [smem:$0x3FFE];
	_ =	sdelay $0x1  }
0x2: {  	s1 =	srdreg.scid  }
0x3: {  	s0 =	sand.u32 $0x1, s1  }
0x4: {  	s18 =	sshll.u32 s0, $0xA;
	s2 =	sadd.s32 s3, s2  }
0x5: {  	s2 =	sadd.s32 s2, s18  }
0x6: {  	[smem:$0x3FC6] =	sst s2  }
0x7: {  	_ = 	snop  }
0x8: {  	s2 =	sld [smem:$0x3FD0];
	(tm) =	ssettm $0x1  }
0x9: {  	s19 =	sld [smem:$0x3FFB];
	_ =	sdelay $0x3  }
0xa: {  	_ =	strace s19  }
0xb: {  	s3 =	sld [smem:$0x3FFC];
	_ =	sdelay $0x3  }
0xc: {  	_ =	strace s3  }
0xd: {  	s3 =	sld [smem:$0x3FFD];
	_ =	sdelay $0x3  }
0xe: {  	_ =	strace s3  }
0xf: {  	_ =	strace $0x8FFFFFFF  }
0x10: {  	s20 =	sld [smem:$0x3FDB];
	_ =	sdelay $0x1  }
0x11: {  	s4 =	simm.s32 $_scs_section_size  }
0x12: {  	s5 =	simm.s32 $_size__tile_overlayer_lowered;
	s6 =	simm.s32 $_tile_overlayer_lowered  }
0x13: {  	s23 =	simm.s32 $0x1BFF;
	s22 =	sshll.u32 s6, $0x1;
	s3 =	sadd.s32 s4, s20  }
0x14: {  	s7 =	simm.s32 $0x0;
	s21 =	sshll.u32 s5, $0x1;
	s5 =	sadd.s32 s22, s3  }
0x15: {  	[timem:s7], [sflag:s23] =	dma.local [hbm:s5], s21  }
0x16: {  	_ =	swait.ge [sflag:s23], s21  }
0x17: {  	s4 =	ssub.s32 $0x0, s21;
	[sflag:s23] =	ssyncset.done $0x0  }
0x18: {  	[sflag:s23] =	ssyncadd.s32 s4;
	_ =	sdelay $0x1  }
0x19: {  	s24 =	simm.s32 $0x1B8B  }
0x1a: {  	_ =	swait.ge [sflag:s24], $0x1  }
0x1b: {  	[sflag:s24] =	ssyncset.done $0x0  }
0x1c: {  	s26 =	simm.s32 $0x1B8E;
	s25 =	sld [smem:$0x3FFE];
	[sflag:s24] =	ssyncadd.s32 $0xFFFFFFFF  }
0x1d: {  	s27 =	simm.s32 $execute0_lowered;
	[smem:$0x3FD2] =	sst s26  }
0x1e: {  	s5 =	sshll.u32 s27, $0x1;
	_ =	strace $0x80000049;
	[dreg:$0x1] =	wrdreg $0xFFFFFFFF  }
0x1f: {  	s28 =	simm.s32 $_size_execute0_lowered;
	s3 =	sadd.s32 s3, s5;
	[dreg:$0x0] =	wrdreg $0x0  }
0x20: {  	s5 =	sshll.u32 s28, $0x1;
	[dreg:$0x2] =	wrdreg s3  }
0x21: {  	[dreg:$0x3] =	wrdreg s5  }
0x22: {  	[dreg:$0x4] =	wrdreg $0xC0  }
0x23: {  	_ =	task [dreg:s7], $0x5FFFF  }
0x24: {  	[dreg:$0x1] =	wrdreg $0xFFFFFFFF  }
0x25: {  	[dreg:$0x0] =	wrdreg $0x60  }
0x26: {  	[dreg:$0x2] =	wrdreg s25  }
0x27: {  	[dreg:$0x3] =	wrdreg s2  }
0x28: {  	[dreg:$0x4] =	wrdreg $0x9  }
0x29: {  	_ =	task.clear_ibuf [dreg:s7], $0x5FFFF;
	_ =	strace $0x90000049  }
0x2a: {  	s29 =	simm.s32 $0x9;
	_ =	strace $0x8000004B  }
0x2b: {  	_ =	swait.ge [sflag:s29], $0x1  }
0x2c: {  	[sflag:s29] =	ssyncadd.s32 $0xFFFFFFFF  }
0x2d: {  	_ =	strace $0x9000004B  }
0x2e: {  	_ =	sfence  }
0x2f: {  	s30 =	sld [smem:$0x0];
	_ =	sdelay $0x2  }
0x30: {  	s31 =	sshll.u32 s1, $0xD;
	s1 =	sshrl.u32 s1, $0x2  }
0x31: {  	s3 =	sand.u32 $0x4000, s31;
	s1 =	sadd.s32 s1, s30  }
0x32: {  	s0 =	sor.u32 s3, s0;
	s1 =	sshll.u32 s1, $0x11  }
0x33: {  	s0 =	sor.u32 s1, s0  }
0x34: {  	s0 =	sadd.s32 $0x8F2B, s0  }
0x35: {  	[sflag:s0] =	ssyncadd.remote.s32 $0x1  }
0x36: {  	_ =	sfence.sel $0xFFFF  }
0x37: {  	[dreg:$0x0] =	wrdreg $0xFFFFFFFF;
	(pc) =	sbr.abs _section_cstart, $3  }
0x38: {  	[dreg:$0x1] =	wrdreg $0xFFFFFFFF  }
0x39: {  	_ =	task.clear_ibuf [dreg:s7], $0x2FFFF;
	_ =	strace $0x9FFFFFFF  }
0x3a: {  	(tm) =	ssettm $0x7FFFFFFF  }
0x3b: {  	_ =	shalt  }
tec
execute0_lowered:
.L_overlay_start_1:
0x0: {  	(tag) =	ssettag $0x1  }
0x1: {  	s0 =	srdreg.scid  }
0x2: {  	s1 =	sshll.u32 s0, $0x4  }
0x3: {  	s4 =	rddreg [dreg:$0x0];
	s0 =	stileid.u32;
	s1 =	sand.u32 $0x10, s1  }
0x4: {  	s2 =	rddreg [dreg:$0x1];
	s7 =	simm.s32 $0x1;
	s1 =	sor.u32 s0, s1  }
0x5: {  	s8 =	simm.s32 $0x2;
	s11 =	simm.s32 $0x0;
	s3 =	sshll.u32 s1, $0x7  }
0x6: {  	s10 =	simm.s32 $0x0;
	s4 =	sadd.s32 $0x800, s4;
	s6 =	ssub.s32 $0x28000, s3  }
.Ltmp0:
0x7: {  	s1 =	rddreg [dreg:$0x2];
	s5 =	sand.u32 $0xF80, s6;
	(pc) =	sbr.rel .LBB1_1-.Ltmp0, $4  }
0x8: {  	_ =	strace $0x8000004A;
	s9 =	smov.u32 s3;
	p0 =	sne.s32 s5, $0x0  }
0x9: {  	s6 =	sshrl.u32 s6, $0xC;
	s5 =	simm.s32 $0x1;
	s7 =	simm.s32 @!p0 $0x0  }
0xa: {  	[sflag:s5] =	ssyncpa.u1 $0x0;
	p0 =	por $0x0, $0x0;
	s6 =	sadd.s32 s7, s6  }
0xb: {  	[sflag:s8] =	ssyncpa.u1 $0x0;
	s8 =	simm.s32 $0x140000;
	s7 =	sadd.s32 $0x1, s6  }
.LBB1_4:
0xc: {  	s14 =	sshll.u32 s11, $0x3  }
0xd: {  	s30 =	sand.u32 $0x7F, s11;
	s15 =	sand.u32 $0xFFFFFC00, s14  }
0xe: {  	s11 =	sor.u32 s30, s15  }
0xf: {  	s15 =	smulhi.u32 $0xCCCCCCCD, s11  }
0x10: {  	s14 =	smulhi.u32 $0xCCCCCCCD, s14  }
0x11: {  	s15 =	sshrl.u32 s15, $0x11  }
0x12: {  	s14 =	sshrl.u32 s14, $0x11;
	s15 =	smul.u32 $0x28000, s15  }
0x13: {  	s14 =	sand.u32 $0x3F, s14  }
0x14: {  	s14 =	smul.u32 $0x5000, s14;
	s11 =	ssub.s32 s11, s15  }
0x15: {  	[tilespmem:s13+$0x810 ss:$0x81] =	vst.msk $0xffff, v2;
	s15 =	sand.u32 $0x7, s11  }
0x16: {  	[tilespmem:s13+$0x1020 ss:$0x81] =	vst.msk $0xffff, v0;
	s14 =	sadd.s32 s2, s14;
	s11 =	sshrl.u32 s11, $0x3;
	s15 =	sshll.u32 s15, $0x12  }
0x17: {  	[tilespmem:s13+$0x0 ss:$0x81] =	vst.msk $0xffff, v1;
	s11 =	sadd.s32 s11, s14;
	s31 =	sor.u32 $0x400, s15  }
0x18: {  	[hbm4b:s11+s31] =	stream.strided.scatter [tilespmem:s12], [sflag:$0x2], $0x2000, s8, s31, $0x20;
	[tilespmem:$0x8080] =	vst v63  }
.LBB1_5:
0x19: {  	s13 =	sadd.s32 $0x1000, s9  }
0x1a: {  	p2 =	sgt.s32 s13, $0x27FFF  }
0x1b: {  	s13 =	smov.u32 @p2 s3;
	p2 =	sne.s32 s10, s7  }
.Ltmp1:
0x1c: {  	p1 =	slt.u32 s10, $0x2;
	(pc) =	sbr.rel @!p2 .LBB1_6-.Ltmp1, $4  }
0x1d: {  	s12 =	simm.s32 @!p1 $0x2  }
0x1e: {  	s14 =	sadd.s32 $0x1, s10;
	_ =	swait.ge @!p1 [sflag:s12], $0x2000  }
0x1f: {  	s11 =	smov.u32 s9;
	p0 =	por !p0, !p0;
	[sflag:s12] =	ssyncset.done @!p1 $0x0  }
0x20: {  	s10 =	smov.u32 s14;
	s9 =	smov.u32 s13;
	[sflag:s12] =	ssyncadd.s32 @!p1 $0xFFFFE000  }
.LBB1_1:
0x21: {  	p1 =	sge.u32 s10, s6  }
0x22: {  	s12 =	sand.u32 @!p1 $0x1FFFFFF, s9  }
0x23: {  	s13 =	smulhi.u32 @!p1 $0xCCCCCD, s12;
	_ =	sdelay $0x1  }
0x24: {  	s13 =	sshrl.u32 @!p1 s13, $0x9  }
0x25: {  	s13 =	smul.u32 @!p1 $0x28000, s13;
	_ =	sdelay $0x1  }
0x26: {  	s31 =	sadd.s32 $0xFFFFFFFF, s10;
	s14 =	sxor.u32 @!p1 $0xFFFFFFFF, s10;
	s12 =	ssub.s32 @!p1 s12, s13  }
0x27: {  	s15 =	simm.s32 @!p1 $0x80;
	s14 =	sshll.u32 @!p1 s14, $0xD;
	s12 =	sshll.u32 @!p1 s12, $0x4  }
0x28: {  	s13 =	sand.u32 @!p1 $0x2000, s14;
	s14 =	simm.s32 @!p1 $0x40;
	s12 =	sadd.s32 @!p1 s4, s12  }
0x29: {  	[tilespmem:s13], [sflag:$0x1] =	stream.strided.gather @!p1 [hbm4b:s12+s14], $0x2000, s15, s14, $0x38;
	[tilespmem:$0x8080] =	vst v63  }
0x2a: {  	p1 =	sge.u32 s31, s6  }
.Ltmp2:
0x2b: {  	_ = 	snop;
	(pc) =	sbr.rel @p1 .LBB1_5-.Ltmp2, $1  }
0x2c: {  	_ =	sdelay $0x3  }
0x2d: {  	s12 =	simm.s32 $0x1  }
0x2e: {  	_ =	swait.ge [sflag:s5], $0x2000;
	s12 =	simm.s32 @!p0 $0x0  }
0x2f: {  	[sflag:s5] =	ssyncset.done $0x0;
	s13 =	sshll.u32 s12, $0xD  }
0x30: {  	[sflag:s5] =	ssyncadd.s32 $0xFFFFE000;
	s16 =	sor.u32 $0x20, s13  }
0x31: {  	s12 =	smul.u32 $0x8100, s12;
	v3 =	vld [tilespmem:s16+$0x10]  }
0x32: {  	s30 =	sand.u32 $0x1, s10;
	v2 =	vld [tilespmem:s16+$0xFFFFFFF0]  }
0x33: {  	s13 =	smul.u32 $0x8100, s30;
	s12 =	sshrl.u32 s12, $0x2;
	v0 =	vld [tilespmem:s16+$0x0]  }
0x34: {  	v1 =	vld [tilespmem:s16+$0xFFFFFFE0];
	s14 =	sor.u32 $0x4000, s12  }
0x35: {  	s31 =	sshrl.u32 s13, $0x2;
	s13 =	sadd.s32 $0x0, s14  }
0x36: {  	s15 =	simm.s32 $0x4;
	s16 =	sadd.s32 $0x40, s16;
	s12 =	sor.u32 $0x4000, s31;
	[tilespmem:s13+$0x1830 ss:$0x81] =	vst.msk $0xffff, v3  }
.LBB1_3:
0x37: {  	v3 =	vld [tilespmem:s16+$0x10];
	p1 =	sne.s32 s15, $0x1FC;
	[tilespmem:s13+$0x810 ss:$0x81] =	vst.msk $0xffff, v2;
	s17 =	smov.u32 s15;
	s15 =	sadd.s32 $0x4, s15  }
.Ltmp3:
0x38: {  	v2 =	vld [tilespmem:s16+$0xFFFFFFF0];
	[tilespmem:s13+$0x1020 ss:$0x81] =	vst.msk $0xffff, v0;
	(pc) =	sbr.rel @p1 .LBB1_3-.Ltmp3, $4  }
0x39: {  	v0 =	vld [tilespmem:s16+$0x0];
	[tilespmem:s13+$0x0 ss:$0x81] =	vst.msk $0xffff, v1  }
0x3a: {  	s13 =	sshra.s32 s17, $0x2;
	v1 =	vld [tilespmem:s16+$0xFFFFFFE0]  }
0x3b: {  	s13 =	sadd.s32 s13, s14  }
0x3c: {  	s16 =	sadd.s32 $0x40, s16;
	[tilespmem:s13+$0x1830 ss:$0x81] =	vst.msk $0xffff, v3  }
.Ltmp4:
0x3d: {  	_ = 	snop;
	(pc) =	sbr.rel .LBB1_4-.Ltmp4, $1  }
0x3e: {  	_ =	sdelay $0x3  }
.LBB1_6:
0x3f: {  	_ =	sfence.sel $0x180000  }
0x40: {  	s2 =	simm.s32 $0x1;
	[bflag:$0x0] =	sbarrier.arrive $0xFFFF  }
0x41: {  	s31 =	simm.s32 $0x2;
	[sflag:s2] =	ssyncpa.u1 $0x1  }
0x42: {  	[sflag:s31] =	ssyncpa.u1 $0x1  }
0x43: {  	p0 =	sne.s32 s0, $0x0;
	_ =	strace $0x9000004A  }
0x44: {  	s0 =	sadd.s32 @!p0 $0x100000, s1;
	[bflag:$0x2] =	sbarrier.arrive $0xFFFF  }
0x45: {  	[sflag:s0] =	ssyncadd.tile.s32 @!p0 $0x1;
	_ =	shalt  }
.Lfunc_end1:
_tile_overlayer_lowered:
.L_overlay_start_2:
0x46: {  	(tag) =	ssettag $0x2  }
0x47: {  	s0 =	rddreg [dreg:$0x0];
	s2 =	stileid.u32  }
0x48: {  	s1 =	rddreg [dreg:$0x1];
	p0 =	sne.s32 s2, $0x0  }
0x49: {  	s3 =	rddreg [dreg:$0x2];
	[bflag:$0x3] =	sbarrier.arrive $0xFFFF;
	s2 =	simm.s32 @!p0 $0x1C01  }
0x4a: {  	[timem:s3], [sflag:s2] =	dma.local @!p0 [hbm:s0], s1  }
0x4b: {  	s0 =	simm.s32 @!p0 $0x1  }
0x4c: {  	_ =	swait.ge @!p0 [sflag:s0], s1  }
0x4d: {  	s1 =	ssub.s32 @!p0 $0x0, s1;
	[sflag:s0] =	ssyncset.done @!p0 $0x0  }
0x4e: {  	[sflag:s0] =	ssyncadd.s32 @!p0 s1  }
0x4f: {  	[bflag:$0x3] =	sbarrier.arrive $0xFFFF  }
0x50: {  	_ =	shalt  }

</sc_bundles>
